<compile_context>
chip_gen: v7x
topology: tpu7x:2x2x1
jax: 0.10.2.dev20260603
libtpu: 0.0.44.dev20260713+nightly
codegen_flags: <defaults>
</compile_context>

<pallas_src>
import functools
import math

import jax
import jax.numpy as jnp
from jax import lax
from jax.experimental import pallas as pl
from jax.experimental.pallas import tpu as pltpu
from jax.experimental.pallas import tpu_sc as plsc

_B = 64
_S = 512
_N = _B * _S
_D4 = 32
_D = 128
_PACK = _D // _D4
_NP = _N // _PACK
_Q = _S // _PACK

_NC = 2
_NS = 16
_NW = _NC * _NS
_B_PER_W = _N // _NW
_CHUNK = 128
_NCHUNK = _B_PER_W // _CHUNK

_RPB = 1024
_SPB = _RPB // _Q


def _sc_gather_kernel(table_hbm, idx_hbm, out_hbm, idx_v, rows_v, sem):
    wid = lax.axis_index("s") * _NC + lax.axis_index("c")
    pltpu.sync_copy(idx_hbm.at[pl.ds(2 * wid, 2)], idx_v)
    copies = []
    for j in range(_NCHUNK):
        copies.append(
            pltpu.async_copy(
                table_hbm.at[idx_v.at[j // _PACK,
                                      pl.ds((j % _PACK) * _CHUNK, _CHUNK)]],
                rows_v.at[pl.ds(j * _CHUNK, _CHUNK)],
                sem,
            )
        )
    for c in copies:
        c.wait()
    for j in range(_NCHUNK):
        s = 2 * wid + (1 if j >= _PACK else 0)
        k = j % _PACK
        pltpu.sync_copy(
            rows_v.at[pl.ds(j * _CHUNK, _CHUNK)],
            out_hbm.at[pl.ds(s * _Q, _Q), pl.ds(k * _D4, _D4)],
        )


def _sc_gather(token_table, x):
    mesh = plsc.VectorSubcoreMesh(core_axis_name="c", subcore_axis_name="s")
    k = pl.kernel(
        _sc_gather_kernel,
        out_type=jax.ShapeDtypeStruct((_NP, _D), jnp.float32),
        mesh=mesh,
        compiler_params=pltpu.CompilerParams(use_tc_tiling_on_sc=False),
        scratch_types=[
            pltpu.VMEM((2, _S), jnp.int32),
            pltpu.VMEM((_B_PER_W, _D4), jnp.float32),
            pltpu.SemaphoreType.DMA,
        ],
    )
    return k(token_table, x)


def _tc_body(g_ref, tt_ref, w_ref, posb_ref, tyd_ref, gm_ref, bt_ref,
             out_ref):
    g = g_ref[...]
    h = 0.5 * g * (1.0 + lax.erf(g * (1.0 / math.sqrt(2.0))))
    w = w_ref[...]
    c4 = jnp.concatenate([w, w, w, w], axis=0)
    wrep = jnp.concatenate([c4, c4, c4, c4], axis=1)
    rowq = lax.broadcasted_iota(jnp.int32, (_D, _PACK * _D), 0) // _D4
    colq = lax.broadcasted_iota(jnp.int32, (_D, _PACK * _D), 1) // _D
    w512 = jnp.where(rowq == colq, wrep, 0.0)
    h2 = jnp.dot(h, w512, preferred_element_type=jnp.float32)

    tyd = tyd_ref[...].reshape(1, 1, _D)
    gm = gm_ref[...].reshape(1, 1, _D)
    bt = bt_ref[...].reshape(1, 1, _D)
    tb = tt_ref[...].astype(jnp.int32)
    pieces = []
    for k in range(_PACK):
        s = h2[:, k * _D:(k + 1) * _D]
        s = s.reshape(_SPB, _Q, _D)
        bitk = ((tb >> k) & 1).astype(jnp.float32).reshape(_SPB, _Q, 1)
        s = s + posb_ref[k * _Q:(k + 1) * _Q, :][None, :, :] + bitk * tyd
        mean = jnp.mean(s, axis=-1, keepdims=True)
        d = s - mean
        var = jnp.mean(d * d, axis=-1, keepdims=True)
        pieces.append((d * lax.rsqrt(var + 1e-12)) * gm + bt)
    out_ref[...] = jnp.stack(pieces, axis=1)


def _tc_compute(gathered, ttp, proj_W, posb, tyd, gamma, beta):
    grid = (_NP // _RPB,)
    full = lambda i: (0, 0)
    return pl.pallas_call(
        _tc_body,
        grid=grid,
        in_specs=[
            pl.BlockSpec((_RPB, _D), lambda i: (i, 0)),
            pl.BlockSpec((_RPB, 1), lambda i: (i, 0)),
            pl.BlockSpec((_D4, _D), full),
            pl.BlockSpec((_S, _D), full),
            pl.BlockSpec((1, _D), full),
            pl.BlockSpec((1, _D), full),
            pl.BlockSpec((1, _D), full),
        ],
        out_specs=pl.BlockSpec((_SPB, _PACK, _Q, _D), lambda i: (i, 0, 0, 0)),
        out_shape=jax.ShapeDtypeStruct((_B, _PACK, _Q, _D), jnp.float32),
    )(gathered, ttp, proj_W, posb, tyd, gamma, beta)


def kernel(x, token_type, token_table, proj_W, proj_b, pos_table, type_table,
           gamma, beta):
    gathered = _sc_gather(token_table, x)
    ttq = token_type.reshape(_B, _PACK, _Q)
    ttp = (ttq[:, 0] | (ttq[:, 1] << 1) | (ttq[:, 2] << 2)
           | (ttq[:, 3] << 3)).astype(jnp.int8).reshape(_NP, 1)
    posb = pos_table[:_S] + proj_b[None, :] + type_table[0][None, :]
    tyd = (type_table[1] - type_table[0]).reshape(1, _D)
    out = _tc_compute(
        gathered,
        ttp,
        proj_W,
        posb,
        tyd,
        gamma.reshape(1, _D),
        beta.reshape(1, _D),
    )
    return out.reshape(_B, _S, _D)

# --- scband reference (transcript-rebuilt; emitter-appended) ---
"""Pipeline reference for scband-bertembedding-63891933495972 (READ-ONLY COPY).

The authoritative reference and input builder live on the scoring server;
editing this copy changes nothing except your own understanding.
"""

import jax, jax.numpy as jnp
import numpy as np
import math

VOCAB = 100000
DIM = 128
DIM4 = DIM // 4
MAX_LEN = 768
TYPE_NUM = 2
B, S = 64, 512


def setup_inputs(seed: int = 0) -> dict:
    key = jax.random.key(seed)
    ks = jax.random.split(key, 9)
    x = jax.random.randint(ks[0], (B, S), 0, VOCAB, dtype=jnp.int32)
    token_type = jax.random.randint(ks[1], (B, S), 0, TYPE_NUM, dtype=jnp.int32)
    token_table = jax.random.normal(ks[2], (VOCAB, DIM4), dtype=jnp.float32) * 0.02
    # padding_idx=0 -> zero row, matching nn.Embedding(padding_idx=0)
    token_table = token_table.at[0].set(0.0)
    proj_W = jax.random.normal(ks[3], (DIM4, DIM), dtype=jnp.float32) * (1.0 / math.sqrt(DIM4))
    proj_b = jax.random.normal(ks[4], (DIM,), dtype=jnp.float32) * 0.02
    pos_table = jax.random.normal(ks[5], (MAX_LEN, DIM), dtype=jnp.float32) * 0.02
    type_table = jax.random.normal(ks[6], (TYPE_NUM, DIM), dtype=jnp.float32) * 0.02
    gamma = jnp.ones((DIM,), dtype=jnp.float32)
    beta = jnp.zeros((DIM,), dtype=jnp.float32)
    return {
        "x": x,
        "token_type": token_type,
        "token_table": token_table,
        "proj_W": proj_W,
        "proj_b": proj_b,
        "pos_table": pos_table,
        "type_table": type_table,
        "gamma": gamma,
        "beta": beta,
    }


def reference(x, token_type, token_table, proj_W, proj_b, pos_table, type_table, gamma, beta):
    # TokenEmbedding: proj(gelu(embedding(x)))
    e = jnp.take(token_table, x, axis=0)              # [B, S, DIM4]
    h = jax.nn.gelu(e, approximate=False)
    h = jnp.dot(h, proj_W) + proj_b                   # [B, S, DIM]
    # Learnable positional embedding (pe_type=0): embedding(arange(S))
    seq_len = x.shape[-1]
    h = h + pos_table[:seq_len][None, :, :]
    # Token type embedding
    h = h + jnp.take(type_table, token_type, axis=0)
    # LayerNorm(eps=1e-12); dropout is identity in eval mode
    mean = jnp.mean(h, axis=-1, keepdims=True)
    var = jnp.mean((h - mean) ** 2, axis=-1, keepdims=True)
    out = (h - mean) / jnp.sqrt(var + 1e-12) * gamma + beta
    return out

if __name__ == "__main__":
    import jax
    _d = setup_inputs()
    print(jax.jit(kernel)(*tuple(_d.values())))

</pallas_src>

<mosaic_0001>
#map = affine_map<(d0, d1) -> (0, 0)>
module attributes {stable_mosaic.version = 14 : i64} {
  func.func @_sc_gather_kernel(%arg0: i32, %arg1: i32, %arg2: memref<100000x32xf32, #tpu.memory_space<hbm>>, %arg3: memref<64x512xi32, #tpu.memory_space<hbm>>, %arg4: memref<8192x128xf32, #tpu.memory_space<hbm>>, %arg5: memref<2x512xi32, #tpu.memory_space<vmem>>, %arg6: memref<1024x32xf32, #tpu.memory_space<vmem>>, %arg7: memref<!tpu.dma_semaphore, #tpu.memory_space<semaphore_mem>>) attributes {dimension_semantics = [#tpu.dimension_semantics<core_parallel>, #tpu.dimension_semantics<subcore_parallel>], iteration_bounds = array<i64: 2, 16>, scalar_prefetch = 0 : i64, scratch_operands = 3 : i64, tpu.core_type = #tpu.core_type<sc_vector_subcore>, window_params = [{transform_indices = #map}, {transform_indices = #map}, {transform_indices = #map}]} {
    %mul3A = arith.constant 2 : i32
    %mul3A_0 = arith.muli %arg1, %mul3A : i32
    %add3A = arith.addi %mul3A_0, %arg0 : i32
    %mul3A_1 = arith.constant 2 : i32
    %mul3A_2 = arith.muli %mul3A_1, %add3A : i32
    "tpu.region"() ({
      %run_scoped3A = tpu.sem_alloc : memref<!tpu.dma_semaphore, #tpu.memory_space<semaphore_mem>>
      %dma_start3A_209 = arith.constant 0 : i32
      %dma_start3A_210 = tpu.memref_slice %arg3[%mul3A_2, %dma_start3A_209] : memref<64x512xi32, #tpu.memory_space<hbm>> -> memref<2x512xi32, #tpu.memory_space<hbm>>
      %dma_start3A_211 = arith.constant 0 : i32
      %dma_start3A_212 = tpu.memref_slice %arg3[%mul3A_2, %dma_start3A_211] : memref<64x512xi32, #tpu.memory_space<hbm>> -> memref<2x512xi32, #tpu.memory_space<hbm>>
      tpu.enqueue_dma source(%dma_start3A_212 : memref<2x512xi32, #tpu.memory_space<hbm>>) target(%arg5 : memref<2x512xi32, #tpu.memory_space<vmem>>) target_semaphore(%run_scoped3A : memref<!tpu.dma_semaphore, #tpu.memory_space<semaphore_mem>>)
      %dma_wait3A_213 = arith.constant 0 : i32
      %dma_wait3A_214 = tpu.memref_slice %arg3[%mul3A_2, %dma_wait3A_213] : memref<64x512xi32, #tpu.memory_space<hbm>> -> memref<2x512xi32, #tpu.memory_space<hbm>>
      %dma_wait3A_215 = arith.constant 0 : i32
      %dma_wait3A_216 = tpu.memref_slice %arg3[%mul3A_2, %dma_wait3A_215] : memref<64x512xi32, #tpu.memory_space<hbm>> -> memref<2x512xi32, #tpu.memory_space<hbm>>
      tpu.wait_dma2 semaphore(%run_scoped3A : memref<!tpu.dma_semaphore, #tpu.memory_space<semaphore_mem>>) src(%dma_wait3A_216 : memref<2x512xi32, #tpu.memory_space<hbm>>) dst(%arg5 : memref<2x512xi32, #tpu.memory_space<vmem>>)
      tpu.yield
    }) : () -> ()
    %dma_start3A = arith.constant 0 : i32
    %dma_start3A_3 = arith.constant 0 : i32
    %dma_start3A_4 = arith.constant 0 : i32
    %dma_start3A_5 = tpu.memref_slice %arg6[%dma_start3A_3, %dma_start3A_4] : memref<1024x32xf32, #tpu.memory_space<vmem>> -> memref<128x32xf32, #tpu.memory_space<vmem>>
    %dma_start3A_6 = arith.constant 0 : i32
    %dma_start3A_7 = tpu.memref_slice %arg5[%dma_start3A, %dma_start3A_6] : memref<2x512xi32, #tpu.memory_space<vmem>> -> memref<1x128xi32, #tpu.memory_space<vmem>>
    %dma_start3A_8 = tpu.memref_squeeze %dma_start3A_7 : memref<1x128xi32, #tpu.memory_space<vmem>> -> memref<128xi32, #tpu.memory_space<vmem>>
    %dma_start3A_9 = arith.constant 0 : i32
    %dma_start3A_10 = arith.constant 0 : i32
    %dma_start3A_11 = tpu.memref_slice %arg2[%dma_start3A_9, %dma_start3A_10] : memref<100000x32xf32, #tpu.memory_space<hbm>> -> memref<100000x32xf32, #tpu.memory_space<hbm>>
    tpu.enqueue_indirect_dma source(%dma_start3A_11 : memref<100000x32xf32, #tpu.memory_space<hbm>>) target(%dma_start3A_5 : memref<128x32xf32, #tpu.memory_space<vmem>>) offsets(%dma_start3A_8 : memref<128xi32, #tpu.memory_space<vmem>>) semaphore(%arg7 : memref<!tpu.dma_semaphore, #tpu.memory_space<semaphore_mem>>)
    %dma_start3A_12 = arith.constant 0 : i32
    %dma_start3A_13 = arith.constant 128 : i32
    %dma_start3A_14 = arith.constant 0 : i32
    %dma_start3A_15 = tpu.memref_slice %arg6[%dma_start3A_13, %dma_start3A_14] : memref<1024x32xf32, #tpu.memory_space<vmem>> -> memref<128x32xf32, #tpu.memory_space<vmem>>
    %dma_start3A_16 = arith.constant 128 : i32
    %dma_start3A_17 = tpu.memref_slice %arg5[%dma_start3A_12, %dma_start3A_16] : memref<2x512xi32, #tpu.memory_space<vmem>> -> memref<1x128xi32, #tpu.memory_space<vmem>>
    %dma_start3A_18 = tpu.memref_squeeze %dma_start3A_17 : memref<1x128xi32, #tpu.memory_space<vmem>> -> memref<128xi32, #tpu.memory_space<vmem>>
    %dma_start3A_19 = arith.constant 0 : i32
    %dma_start3A_20 = arith.constant 0 : i32
    %dma_start3A_21 = tpu.memref_slice %arg2[%dma_start3A_19, %dma_start3A_20] : memref<100000x32xf32, #tpu.memory_space<hbm>> -> memref<100000x32xf32, #tpu.memory_space<hbm>>
    tpu.enqueue_indirect_dma source(%dma_start3A_21 : memref<100000x32xf32, #tpu.memory_space<hbm>>) target(%dma_start3A_15 : memref<128x32xf32, #tpu.memory_space<vmem>>) offsets(%dma_start3A_18 : memref<128xi32, #tpu.memory_space<vmem>>) semaphore(%arg7 : memref<!tpu.dma_semaphore, #tpu.memory_space<semaphore_mem>>)
    %dma_start3A_22 = arith.constant 0 : i32
    %dma_start3A_23 = arith.constant 256 : i32
    %dma_start3A_24 = arith.constant 0 : i32
    %dma_start3A_25 = tpu.memref_slice %arg6[%dma_start3A_23, %dma_start3A_24] : memref<1024x32xf32, #tpu.memory_space<vmem>> -> memref<128x32xf32, #tpu.memory_space<vmem>>
    %dma_start3A_26 = arith.constant 256 : i32
    %dma_start3A_27 = tpu.memref_slice %arg5[%dma_start3A_22, %dma_start3A_26] : memref<2x512xi32, #tpu.memory_space<vmem>> -> memref<1x128xi32, #tpu.memory_space<vmem>>
    %dma_start3A_28 = tpu.memref_squeeze %dma_start3A_27 : memref<1x128xi32, #tpu.memory_space<vmem>> -> memref<128xi32, #tpu.memory_space<vmem>>
    %dma_start3A_29 = arith.constant 0 : i32
    %dma_start3A_30 = arith.constant 0 : i32
    %dma_start3A_31 = tpu.memref_slice %arg2[%dma_start3A_29, %dma_start3A_30] : memref<100000x32xf32, #tpu.memory_space<hbm>> -> memref<100000x32xf32, #tpu.memory_space<hbm>>
    tpu.enqueue_indirect_dma source(%dma_start3A_31 : memref<100000x32xf32, #tpu.memory_space<hbm>>) target(%dma_start3A_25 : memref<128x32xf32, #tpu.memory_space<vmem>>) offsets(%dma_start3A_28 : memref<128xi32, #tpu.memory_space<vmem>>) semaphore(%arg7 : memref<!tpu.dma_semaphore, #tpu.memory_space<semaphore_mem>>)
    %dma_start3A_32 = arith.constant 0 : i32
    %dma_start3A_33 = arith.constant 384 : i32
    %dma_start3A_34 = arith.constant 0 : i32
    %dma_start3A_35 = tpu.memref_slice %arg6[%dma_start3A_33, %dma_start3A_34] : memref<1024x32xf32, #tpu.memory_space<vmem>> -> memref<128x32xf32, #tpu.memory_space<vmem>>
    %dma_start3A_36 = arith.constant 384 : i32
    %dma_start3A_37 = tpu.memref_slice %arg5[%dma_start3A_32, %dma_start3A_36] : memref<2x512xi32, #tpu.memory_space<vmem>> -> memref<1x128xi32, #tpu.memory_space<vmem>>
    %dma_start3A_38 = tpu.memref_squeeze %dma_start3A_37 : memref<1x128xi32, #tpu.memory_space<vmem>> -> memref<128xi32, #tpu.memory_space<vmem>>
    %dma_start3A_39 = arith.constant 0 : i32
    %dma_start3A_40 = arith.constant 0 : i32
    %dma_start3A_41 = tpu.memref_slice %arg2[%dma_start3A_39, %dma_start3A_40] : memref<100000x32xf32, #tpu.memory_space<hbm>> -> memref<100000x32xf32, #tpu.memory_space<hbm>>
    tpu.enqueue_indirect_dma source(%dma_start3A_41 : memref<100000x32xf32, #tpu.memory_space<hbm>>) target(%dma_start3A_35 : memref<128x32xf32, #tpu.memory_space<vmem>>) offsets(%dma_start3A_38 : memref<128xi32, #tpu.memory_space<vmem>>) semaphore(%arg7 : memref<!tpu.dma_semaphore, #tpu.memory_space<semaphore_mem>>)
    %dma_start3A_42 = arith.constant 1 : i32
    %dma_start3A_43 = arith.constant 512 : i32
    %dma_start3A_44 = arith.constant 0 : i32
    %dma_start3A_45 = tpu.memref_slice %arg6[%dma_start3A_43, %dma_start3A_44] : memref<1024x32xf32, #tpu.memory_space<vmem>> -> memref<128x32xf32, #tpu.memory_space<vmem>>
    %dma_start3A_46 = arith.constant 0 : i32
    %dma_start3A_47 = tpu.memref_slice %arg5[%dma_start3A_42, %dma_start3A_46] : memref<2x512xi32, #tpu.memory_space<vmem>> -> memref<1x128xi32, #tpu.memory_space<vmem>>
    %dma_start3A_48 = tpu.memref_squeeze %dma_start3A_47 : memref<1x128xi32, #tpu.memory_space<vmem>> -> memref<128xi32, #tpu.memory_space<vmem>>
    %dma_start3A_49 = arith.constant 0 : i32
    %dma_start3A_50 = arith.constant 0 : i32
    %dma_start3A_51 = tpu.memref_slice %arg2[%dma_start3A_49, %dma_start3A_50] : memref<100000x32xf32, #tpu.memory_space<hbm>> -> memref<100000x32xf32, #tpu.memory_space<hbm>>
    tpu.enqueue_indirect_dma source(%dma_start3A_51 : memref<100000x32xf32, #tpu.memory_space<hbm>>) target(%dma_start3A_45 : memref<128x32xf32, #tpu.memory_space<vmem>>) offsets(%dma_start3A_48 : memref<128xi32, #tpu.memory_space<vmem>>) semaphore(%arg7 : memref<!tpu.dma_semaphore, #tpu.memory_space<semaphore_mem>>)
    %dma_start3A_52 = arith.constant 1 : i32
    %dma_start3A_53 = arith.constant 640 : i32
    %dma_start3A_54 = arith.constant 0 : i32
    %dma_start3A_55 = tpu.memref_slice %arg6[%dma_start3A_53, %dma_start3A_54] : memref<1024x32xf32, #tpu.memory_space<vmem>> -> memref<128x32xf32, #tpu.memory_space<vmem>>
    %dma_start3A_56 = arith.constant 128 : i32
    %dma_start3A_57 = tpu.memref_slice %arg5[%dma_start3A_52, %dma_start3A_56] : memref<2x512xi32, #tpu.memory_space<vmem>> -> memref<1x128xi32, #tpu.memory_space<vmem>>
    %dma_start3A_58 = tpu.memref_squeeze %dma_start3A_57 : memref<1x128xi32, #tpu.memory_space<vmem>> -> memref<128xi32, #tpu.memory_space<vmem>>
    %dma_start3A_59 = arith.constant 0 : i32
    %dma_start3A_60 = arith.constant 0 : i32
    %dma_start3A_61 = tpu.memref_slice %arg2[%dma_start3A_59, %dma_start3A_60] : memref<100000x32xf32, #tpu.memory_space<hbm>> -> memref<100000x32xf32, #tpu.memory_space<hbm>>
    tpu.enqueue_indirect_dma source(%dma_start3A_61 : memref<100000x32xf32, #tpu.memory_space<hbm>>) target(%dma_start3A_55 : memref<128x32xf32, #tpu.memory_space<vmem>>) offsets(%dma_start3A_58 : memref<128xi32, #tpu.memory_space<vmem>>) semaphore(%arg7 : memref<!tpu.dma_semaphore, #tpu.memory_space<semaphore_mem>>)
    %dma_start3A_62 = arith.constant 1 : i32
    %dma_start3A_63 = arith.constant 768 : i32
    %dma_start3A_64 = arith.constant 0 : i32
    %dma_start3A_65 = tpu.memref_slice %arg6[%dma_start3A_63, %dma_start3A_64] : memref<1024x32xf32, #tpu.memory_space<vmem>> -> memref<128x32xf32, #tpu.memory_space<vmem>>
    %dma_start3A_66 = arith.constant 256 : i32
    %dma_start3A_67 = tpu.memref_slice %arg5[%dma_start3A_62, %dma_start3A_66] : memref<2x512xi32, #tpu.memory_space<vmem>> -> memref<1x128xi32, #tpu.memory_space<vmem>>
    %dma_start3A_68 = tpu.memref_squeeze %dma_start3A_67 : memref<1x128xi32, #tpu.memory_space<vmem>> -> memref<128xi32, #tpu.memory_space<vmem>>
    %dma_start3A_69 = arith.constant 0 : i32
    %dma_start3A_70 = arith.constant 0 : i32
    %dma_start3A_71 = tpu.memref_slice %arg2[%dma_start3A_69, %dma_start3A_70] : memref<100000x32xf32, #tpu.memory_space<hbm>> -> memref<100000x32xf32, #tpu.memory_space<hbm>>
    tpu.enqueue_indirect_dma source(%dma_start3A_71 : memref<100000x32xf32, #tpu.memory_space<hbm>>) target(%dma_start3A_65 : memref<128x32xf32, #tpu.memory_space<vmem>>) offsets(%dma_start3A_68 : memref<128xi32, #tpu.memory_space<vmem>>) semaphore(%arg7 : memref<!tpu.dma_semaphore, #tpu.memory_space<semaphore_mem>>)
    %dma_start3A_72 = arith.constant 1 : i32
    %dma_start3A_73 = arith.constant 896 : i32
    %dma_start3A_74 = arith.constant 0 : i32
    %dma_start3A_75 = tpu.memref_slice %arg6[%dma_start3A_73, %dma_start3A_74] : memref<1024x32xf32, #tpu.memory_space<vmem>> -> memref<128x32xf32, #tpu.memory_space<vmem>>
    %dma_start3A_76 = arith.constant 384 : i32
    %dma_start3A_77 = tpu.memref_slice %arg5[%dma_start3A_72, %dma_start3A_76] : memref<2x512xi32, #tpu.memory_space<vmem>> -> memref<1x128xi32, #tpu.memory_space<vmem>>
    %dma_start3A_78 = tpu.memref_squeeze %dma_start3A_77 : memref<1x128xi32, #tpu.memory_space<vmem>> -> memref<128xi32, #tpu.memory_space<vmem>>
    %dma_start3A_79 = arith.constant 0 : i32
    %dma_start3A_80 = arith.constant 0 : i32
    %dma_start3A_81 = tpu.memref_slice %arg2[%dma_start3A_79, %dma_start3A_80] : memref<100000x32xf32, #tpu.memory_space<hbm>> -> memref<100000x32xf32, #tpu.memory_space<hbm>>
    tpu.enqueue_indirect_dma source(%dma_start3A_81 : memref<100000x32xf32, #tpu.memory_space<hbm>>) target(%dma_start3A_75 : memref<128x32xf32, #tpu.memory_space<vmem>>) offsets(%dma_start3A_78 : memref<128xi32, #tpu.memory_space<vmem>>) semaphore(%arg7 : memref<!tpu.dma_semaphore, #tpu.memory_space<semaphore_mem>>)
    %dma_wait3A = arith.constant 0 : i32
    %dma_wait3A_82 = arith.constant 0 : i32
    %dma_wait3A_83 = arith.constant 0 : i32
    %dma_wait3A_84 = tpu.memref_slice %arg6[%dma_wait3A_82, %dma_wait3A_83] : memref<1024x32xf32, #tpu.memory_space<vmem>> -> memref<128x32xf32, #tpu.memory_space<vmem>>
    %dma_wait3A_85 = arith.constant 0 : i32
    %dma_wait3A_86 = tpu.memref_slice %arg5[%dma_wait3A, %dma_wait3A_85] : memref<2x512xi32, #tpu.memory_space<vmem>> -> memref<1x128xi32, #tpu.memory_space<vmem>>
    %dma_wait3A_87 = tpu.memref_squeeze %dma_wait3A_86 : memref<1x128xi32, #tpu.memory_space<vmem>> -> memref<128xi32, #tpu.memory_space<vmem>>
    %dma_wait3A_88 = arith.constant 0 : i32
    %dma_wait3A_89 = arith.constant 0 : i32
    %dma_wait3A_90 = tpu.memref_slice %arg2[%dma_wait3A_88, %dma_wait3A_89] : memref<100000x32xf32, #tpu.memory_space<hbm>> -> memref<100000x32xf32, #tpu.memory_space<hbm>>
    tpu.wait_indirect_dma semaphore(%arg7 : memref<!tpu.dma_semaphore, #tpu.memory_space<semaphore_mem>>) src(%dma_wait3A_90 : memref<100000x32xf32, #tpu.memory_space<hbm>>) dst(%dma_wait3A_84 : memref<128x32xf32, #tpu.memory_space<vmem>>)
    %dma_wait3A_91 = arith.constant 0 : i32
    %dma_wait3A_92 = arith.constant 128 : i32
    %dma_wait3A_93 = arith.constant 0 : i32
    %dma_wait3A_94 = tpu.memref_slice %arg6[%dma_wait3A_92, %dma_wait3A_93] : memref<1024x32xf32, #tpu.memory_space<vmem>> -> memref<128x32xf32, #tpu.memory_space<vmem>>
    %dma_wait3A_95 = arith.constant 128 : i32
    %dma_wait3A_96 = tpu.memref_slice %arg5[%dma_wait3A_91, %dma_wait3A_95] : memref<2x512xi32, #tpu.memory_space<vmem>> -> memref<1x128xi32, #tpu.memory_space<vmem>>
    %dma_wait3A_97 = tpu.memref_squeeze %dma_wait3A_96 : memref<1x128xi32, #tpu.memory_space<vmem>> -> memref<128xi32, #tpu.memory_space<vmem>>
    %dma_wait3A_98 = arith.constant 0 : i32
    %dma_wait3A_99 = arith.constant 0 : i32
    %dma_wait3A_100 = tpu.memref_slice %arg2[%dma_wait3A_98, %dma_wait3A_99] : memref<100000x32xf32, #tpu.memory_space<hbm>> -> memref<100000x32xf32, #tpu.memory_space<hbm>>
    tpu.wait_indirect_dma semaphore(%arg7 : memref<!tpu.dma_semaphore, #tpu.memory_space<semaphore_mem>>) src(%dma_wait3A_100 : memref<100000x32xf32, #tpu.memory_space<hbm>>) dst(%dma_wait3A_94 : memref<128x32xf32, #tpu.memory_space<vmem>>)
    %dma_wait3A_101 = arith.constant 0 : i32
    %dma_wait3A_102 = arith.constant 256 : i32
    %dma_wait3A_103 = arith.constant 0 : i32
    %dma_wait3A_104 = tpu.memref_slice %arg6[%dma_wait3A_102, %dma_wait3A_103] : memref<1024x32xf32, #tpu.memory_space<vmem>> -> memref<128x32xf32, #tpu.memory_space<vmem>>
    %dma_wait3A_105 = arith.constant 256 : i32
    %dma_wait3A_106 = tpu.memref_slice %arg5[%dma_wait3A_101, %dma_wait3A_105] : memref<2x512xi32, #tpu.memory_space<vmem>> -> memref<1x128xi32, #tpu.memory_space<vmem>>
    %dma_wait3A_107 = tpu.memref_squeeze %dma_wait3A_106 : memref<1x128xi32, #tpu.memory_space<vmem>> -> memref<128xi32, #tpu.memory_space<vmem>>
    %dma_wait3A_108 = arith.constant 0 : i32
    %dma_wait3A_109 = arith.constant 0 : i32
    %dma_wait3A_110 = tpu.memref_slice %arg2[%dma_wait3A_108, %dma_wait3A_109] : memref<100000x32xf32, #tpu.memory_space<hbm>> -> memref<100000x32xf32, #tpu.memory_space<hbm>>
    tpu.wait_indirect_dma semaphore(%arg7 : memref<!tpu.dma_semaphore, #tpu.memory_space<semaphore_mem>>) src(%dma_wait3A_110 : memref<100000x32xf32, #tpu.memory_space<hbm>>) dst(%dma_wait3A_104 : memref<128x32xf32, #tpu.memory_space<vmem>>)
    %dma_wait3A_111 = arith.constant 0 : i32
    %dma_wait3A_112 = arith.constant 384 : i32
    %dma_wait3A_113 = arith.constant 0 : i32
    %dma_wait3A_114 = tpu.memref_slice %arg6[%dma_wait3A_112, %dma_wait3A_113] : memref<1024x32xf32, #tpu.memory_space<vmem>> -> memref<128x32xf32, #tpu.memory_space<vmem>>
    %dma_wait3A_115 = arith.constant 384 : i32
    %dma_wait3A_116 = tpu.memref_slice %arg5[%dma_wait3A_111, %dma_wait3A_115] : memref<2x512xi32, #tpu.memory_space<vmem>> -> memref<1x128xi32, #tpu.memory_space<vmem>>
    %dma_wait3A_117 = tpu.memref_squeeze %dma_wait3A_116 : memref<1x128xi32, #tpu.memory_space<vmem>> -> memref<128xi32, #tpu.memory_space<vmem>>
    %dma_wait3A_118 = arith.constant 0 : i32
    %dma_wait3A_119 = arith.constant 0 : i32
    %dma_wait3A_120 = tpu.memref_slice %arg2[%dma_wait3A_118, %dma_wait3A_119] : memref<100000x32xf32, #tpu.memory_space<hbm>> -> memref<100000x32xf32, #tpu.memory_space<hbm>>
    tpu.wait_indirect_dma semaphore(%arg7 : memref<!tpu.dma_semaphore, #tpu.memory_space<semaphore_mem>>) src(%dma_wait3A_120 : memref<100000x32xf32, #tpu.memory_space<hbm>>) dst(%dma_wait3A_114 : memref<128x32xf32, #tpu.memory_space<vmem>>)
    %dma_wait3A_121 = arith.constant 1 : i32
    %dma_wait3A_122 = arith.constant 512 : i32
    %dma_wait3A_123 = arith.constant 0 : i32
    %dma_wait3A_124 = tpu.memref_slice %arg6[%dma_wait3A_122, %dma_wait3A_123] : memref<1024x32xf32, #tpu.memory_space<vmem>> -> memref<128x32xf32, #tpu.memory_space<vmem>>
    %dma_wait3A_125 = arith.constant 0 : i32
    %dma_wait3A_126 = tpu.memref_slice %arg5[%dma_wait3A_121, %dma_wait3A_125] : memref<2x512xi32, #tpu.memory_space<vmem>> -> memref<1x128xi32, #tpu.memory_space<vmem>>
    %dma_wait3A_127 = tpu.memref_squeeze %dma_wait3A_126 : memref<1x128xi32, #tpu.memory_space<vmem>> -> memref<128xi32, #tpu.memory_space<vmem>>
    %dma_wait3A_128 = arith.constant 0 : i32
    %dma_wait3A_129 = arith.constant 0 : i32
    %dma_wait3A_130 = tpu.memref_slice %arg2[%dma_wait3A_128, %dma_wait3A_129] : memref<100000x32xf32, #tpu.memory_space<hbm>> -> memref<100000x32xf32, #tpu.memory_space<hbm>>
    tpu.wait_indirect_dma semaphore(%arg7 : memref<!tpu.dma_semaphore, #tpu.memory_space<semaphore_mem>>) src(%dma_wait3A_130 : memref<100000x32xf32, #tpu.memory_space<hbm>>) dst(%dma_wait3A_124 : memref<128x32xf32, #tpu.memory_space<vmem>>)
    %dma_wait3A_131 = arith.constant 1 : i32
    %dma_wait3A_132 = arith.constant 640 : i32
    %dma_wait3A_133 = arith.constant 0 : i32
    %dma_wait3A_134 = tpu.memref_slice %arg6[%dma_wait3A_132, %dma_wait3A_133] : memref<1024x32xf32, #tpu.memory_space<vmem>> -> memref<128x32xf32, #tpu.memory_space<vmem>>
    %dma_wait3A_135 = arith.constant 128 : i32
    %dma_wait3A_136 = tpu.memref_slice %arg5[%dma_wait3A_131, %dma_wait3A_135] : memref<2x512xi32, #tpu.memory_space<vmem>> -> memref<1x128xi32, #tpu.memory_space<vmem>>
    %dma_wait3A_137 = tpu.memref_squeeze %dma_wait3A_136 : memref<1x128xi32, #tpu.memory_space<vmem>> -> memref<128xi32, #tpu.memory_space<vmem>>
    %dma_wait3A_138 = arith.constant 0 : i32
    %dma_wait3A_139 = arith.constant 0 : i32
    %dma_wait3A_140 = tpu.memref_slice %arg2[%dma_wait3A_138, %dma_wait3A_139] : memref<100000x32xf32, #tpu.memory_space<hbm>> -> memref<100000x32xf32, #tpu.memory_space<hbm>>
    tpu.wait_indirect_dma semaphore(%arg7 : memref<!tpu.dma_semaphore, #tpu.memory_space<semaphore_mem>>) src(%dma_wait3A_140 : memref<100000x32xf32, #tpu.memory_space<hbm>>) dst(%dma_wait3A_134 : memref<128x32xf32, #tpu.memory_space<vmem>>)
    %dma_wait3A_141 = arith.constant 1 : i32
    %dma_wait3A_142 = arith.constant 768 : i32
    %dma_wait3A_143 = arith.constant 0 : i32
    %dma_wait3A_144 = tpu.memref_slice %arg6[%dma_wait3A_142, %dma_wait3A_143] : memref<1024x32xf32, #tpu.memory_space<vmem>> -> memref<128x32xf32, #tpu.memory_space<vmem>>
    %dma_wait3A_145 = arith.constant 256 : i32
    %dma_wait3A_146 = tpu.memref_slice %arg5[%dma_wait3A_141, %dma_wait3A_145] : memref<2x512xi32, #tpu.memory_space<vmem>> -> memref<1x128xi32, #tpu.memory_space<vmem>>
    %dma_wait3A_147 = tpu.memref_squeeze %dma_wait3A_146 : memref<1x128xi32, #tpu.memory_space<vmem>> -> memref<128xi32, #tpu.memory_space<vmem>>
    %dma_wait3A_148 = arith.constant 0 : i32
    %dma_wait3A_149 = arith.constant 0 : i32
    %dma_wait3A_150 = tpu.memref_slice %arg2[%dma_wait3A_148, %dma_wait3A_149] : memref<100000x32xf32, #tpu.memory_space<hbm>> -> memref<100000x32xf32, #tpu.memory_space<hbm>>
    tpu.wait_indirect_dma semaphore(%arg7 : memref<!tpu.dma_semaphore, #tpu.memory_space<semaphore_mem>>) src(%dma_wait3A_150 : memref<100000x32xf32, #tpu.memory_space<hbm>>) dst(%dma_wait3A_144 : memref<128x32xf32, #tpu.memory_space<vmem>>)
    %dma_wait3A_151 = arith.constant 1 : i32
    %dma_wait3A_152 = arith.constant 896 : i32
    %dma_wait3A_153 = arith.constant 0 : i32
    %dma_wait3A_154 = tpu.memref_slice %arg6[%dma_wait3A_152, %dma_wait3A_153] : memref<1024x32xf32, #tpu.memory_space<vmem>> -> memref<128x32xf32, #tpu.memory_space<vmem>>
    %dma_wait3A_155 = arith.constant 384 : i32
    %dma_wait3A_156 = tpu.memref_slice %arg5[%dma_wait3A_151, %dma_wait3A_155] : memref<2x512xi32, #tpu.memory_space<vmem>> -> memref<1x128xi32, #tpu.memory_space<vmem>>
    %dma_wait3A_157 = tpu.memref_squeeze %dma_wait3A_156 : memref<1x128xi32, #tpu.memory_space<vmem>> -> memref<128xi32, #tpu.memory_space<vmem>>
    %dma_wait3A_158 = arith.constant 0 : i32
    %dma_wait3A_159 = arith.constant 0 : i32
    %dma_wait3A_160 = tpu.memref_slice %arg2[%dma_wait3A_158, %dma_wait3A_159] : memref<100000x32xf32, #tpu.memory_space<hbm>> -> memref<100000x32xf32, #tpu.memory_space<hbm>>
    tpu.wait_indirect_dma semaphore(%arg7 : memref<!tpu.dma_semaphore, #tpu.memory_space<semaphore_mem>>) src(%dma_wait3A_160 : memref<100000x32xf32, #tpu.memory_space<hbm>>) dst(%dma_wait3A_154 : memref<128x32xf32, #tpu.memory_space<vmem>>)
    %mul3A_161 = arith.constant 2 : i32
    %mul3A_162 = arith.muli %mul3A_161, %add3A : i32
    %add3A_163 = arith.constant 0 : i32
    %add3A_164 = arith.addi %mul3A_162, %add3A_163 : i32
    %mul3A_165 = arith.constant 128 : i32
    %mul3A_166 = arith.muli %add3A_164, %mul3A_165 : i32
    "tpu.region"() ({
      %run_scoped3A = tpu.sem_alloc : memref<!tpu.dma_semaphore, #tpu.memory_space<semaphore_mem>>
      %dma_start3A_209 = arith.constant 0 : i32
      %dma_start3A_210 = arith.constant 0 : i32
      %dma_start3A_211 = tpu.memref_slice %arg6[%dma_start3A_209, %dma_start3A_210] : memref<1024x32xf32, #tpu.memory_space<vmem>> -> memref<128x32xf32, #tpu.memory_space<vmem>>
      %dma_start3A_212 = arith.constant 0 : i32
      %dma_start3A_213 = tpu.memref_slice %arg4[%mul3A_166, %dma_start3A_212] : memref<8192x128xf32, #tpu.memory_space<hbm>> -> memref<128x32xf32, #tpu.memory_space<hbm>>
      %dma_start3A_214 = arith.constant 0 : i32
      %dma_start3A_215 = tpu.memref_slice %arg4[%mul3A_166, %dma_start3A_214] : memref<8192x128xf32, #tpu.memory_space<hbm>> -> memref<128x32xf32, #tpu.memory_space<hbm>>
      %dma_start3A_216 = arith.constant 0 : i32
      %dma_start3A_217 = arith.constant 0 : i32
      %dma_start3A_218 = tpu.memref_slice %arg6[%dma_start3A_216, %dma_start3A_217] : memref<1024x32xf32, #tpu.memory_space<vmem>> -> memref<128x32xf32, #tpu.memory_space<vmem>>
      tpu.enqueue_dma source(%dma_start3A_218 : memref<128x32xf32, #tpu.memory_space<vmem>>) target(%dma_start3A_215 : memref<128x32xf32, #tpu.memory_space<hbm>>) target_semaphore(%run_scoped3A : memref<!tpu.dma_semaphore, #tpu.memory_space<semaphore_mem>>)
      %dma_wait3A_219 = arith.constant 0 : i32
      %dma_wait3A_220 = arith.constant 0 : i32
      %dma_wait3A_221 = tpu.memref_slice %arg6[%dma_wait3A_219, %dma_wait3A_220] : memref<1024x32xf32, #tpu.memory_space<vmem>> -> memref<128x32xf32, #tpu.memory_space<vmem>>
      %dma_wait3A_222 = arith.constant 0 : i32
      %dma_wait3A_223 = tpu.memref_slice %arg4[%mul3A_166, %dma_wait3A_222] : memref<8192x128xf32, #tpu.memory_space<hbm>> -> memref<128x32xf32, #tpu.memory_space<hbm>>
      %dma_wait3A_224 = arith.constant 0 : i32
      %dma_wait3A_225 = tpu.memref_slice %arg4[%mul3A_166, %dma_wait3A_224] : memref<8192x128xf32, #tpu.memory_space<hbm>> -> memref<128x32xf32, #tpu.memory_space<hbm>>
      %dma_wait3A_226 = arith.constant 0 : i32
      %dma_wait3A_227 = arith.constant 0 : i32
      %dma_wait3A_228 = tpu.memref_slice %arg6[%dma_wait3A_226, %dma_wait3A_227] : memref<1024x32xf32, #tpu.memory_space<vmem>> -> memref<128x32xf32, #tpu.memory_space<vmem>>
      tpu.wait_dma2 semaphore(%run_scoped3A : memref<!tpu.dma_semaphore, #tpu.memory_space<semaphore_mem>>) src(%dma_wait3A_228 : memref<128x32xf32, #tpu.memory_space<vmem>>) dst(%dma_wait3A_225 : memref<128x32xf32, #tpu.memory_space<hbm>>)
      tpu.yield
    }) : () -> ()
    %mul3A_167 = arith.constant 2 : i32
    %mul3A_168 = arith.muli %mul3A_167, %add3A : i32
    %add3A_169 = arith.constant 0 : i32
    %add3A_170 = arith.addi %mul3A_168, %add3A_169 : i32
    %mul3A_171 = arith.constant 128 : i32
    %mul3A_172 = arith.muli %add3A_170, %mul3A_171 : i32
    "tpu.region"() ({
      %run_scoped3A = tpu.sem_alloc : memref<!tpu.dma_semaphore, #tpu.memory_space<semaphore_mem>>
      %dma_start3A_209 = arith.constant 128 : i32
      %dma_start3A_210 = arith.constant 0 : i32
      %dma_start3A_211 = tpu.memref_slice %arg6[%dma_start3A_209, %dma_start3A_210] : memref<1024x32xf32, #tpu.memory_space<vmem>> -> memref<128x32xf32, #tpu.memory_space<vmem>>
      %dma_start3A_212 = arith.constant 32 : i32
      %dma_start3A_213 = tpu.memref_slice %arg4[%mul3A_172, %dma_start3A_212] : memref<8192x128xf32, #tpu.memory_space<hbm>> -> memref<128x32xf32, #tpu.memory_space<hbm>>
      %dma_start3A_214 = arith.constant 32 : i32
      %dma_start3A_215 = tpu.memref_slice %arg4[%mul3A_172, %dma_start3A_214] : memref<8192x128xf32, #tpu.memory_space<hbm>> -> memref<128x32xf32, #tpu.memory_space<hbm>>
      %dma_start3A_216 = arith.constant 128 : i32
      %dma_start3A_217 = arith.constant 0 : i32
      %dma_start3A_218 = tpu.memref_slice %arg6[%dma_start3A_216, %dma_start3A_217] : memref<1024x32xf32, #tpu.memory_space<vmem>> -> memref<128x32xf32, #tpu.memory_space<vmem>>
      tpu.enqueue_dma source(%dma_start3A_218 : memref<128x32xf32, #tpu.memory_space<vmem>>) target(%dma_start3A_215 : memref<128x32xf32, #tpu.memory_space<hbm>>) target_semaphore(%run_scoped3A : memref<!tpu.dma_semaphore, #tpu.memory_space<semaphore_mem>>)
      %dma_wait3A_219 = arith.constant 128 : i32
      %dma_wait3A_220 = arith.constant 0 : i32
      %dma_wait3A_221 = tpu.memref_slice %arg6[%dma_wait3A_219, %dma_wait3A_220] : memref<1024x32xf32, #tpu.memory_space<vmem>> -> memref<128x32xf32, #tpu.memory_space<vmem>>
      %dma_wait3A_222 = arith.constant 32 : i32
      %dma_wait3A_223 = tpu.memref_slice %arg4[%mul3A_172, %dma_wait3A_222] : memref<8192x128xf32, #tpu.memory_space<hbm>> -> memref<128x32xf32, #tpu.memory_space<hbm>>
      %dma_wait3A_224 = arith.constant 32 : i32
      %dma_wait3A_225 = tpu.memref_slice %arg4[%mul3A_172, %dma_wait3A_224] : memref<8192x128xf32, #tpu.memory_space<hbm>> -> memref<128x32xf32, #tpu.memory_space<hbm>>
      %dma_wait3A_226 = arith.constant 128 : i32
      %dma_wait3A_227 = arith.constant 0 : i32
      %dma_wait3A_228 = tpu.memref_slice %arg6[%dma_wait3A_226, %dma_wait3A_227] : memref<1024x32xf32, #tpu.memory_space<vmem>> -> memref<128x32xf32, #tpu.memory_space<vmem>>
      tpu.wait_dma2 semaphore(%run_scoped3A : memref<!tpu.dma_semaphore, #tpu.memory_space<semaphore_mem>>) src(%dma_wait3A_228 : memref<128x32xf32, #tpu.memory_space<vmem>>) dst(%dma_wait3A_225 : memref<128x32xf32, #tpu.memory_space<hbm>>)
      tpu.yield
    }) : () -> ()
    %mul3A_173 = arith.constant 2 : i32
    %mul3A_174 = arith.muli %mul3A_173, %add3A : i32
    %add3A_175 = arith.constant 0 : i32
    %add3A_176 = arith.addi %mul3A_174, %add3A_175 : i32
    %mul3A_177 = arith.constant 128 : i32
    %mul3A_178 = arith.muli %add3A_176, %mul3A_177 : i32
    "tpu.region"() ({
      %run_scoped3A = tpu.sem_alloc : memref<!tpu.dma_semaphore, #tpu.memory_space<semaphore_mem>>
      %dma_start3A_209 = arith.constant 256 : i32
      %dma_start3A_210 = arith.constant 0 : i32
      %dma_start3A_211 = tpu.memref_slice %arg6[%dma_start3A_209, %dma_start3A_210] : memref<1024x32xf32, #tpu.memory_space<vmem>> -> memref<128x32xf32, #tpu.memory_space<vmem>>
      %dma_start3A_212 = arith.constant 64 : i32
      %dma_start3A_213 = tpu.memref_slice %arg4[%mul3A_178, %dma_start3A_212] : memref<8192x128xf32, #tpu.memory_space<hbm>> -> memref<128x32xf32, #tpu.memory_space<hbm>>
      %dma_start3A_214 = arith.constant 64 : i32
      %dma_start3A_215 = tpu.memref_slice %arg4[%mul3A_178, %dma_start3A_214] : memref<8192x128xf32, #tpu.memory_space<hbm>> -> memref<128x32xf32, #tpu.memory_space<hbm>>
      %dma_start3A_216 = arith.constant 256 : i32
      %dma_start3A_217 = arith.constant 0 : i32
      %dma_start3A_218 = tpu.memref_slice %arg6[%dma_start3A_216, %dma_start3A_217] : memref<1024x32xf32, #tpu.memory_space<vmem>> -> memref<128x32xf32, #tpu.memory_space<vmem>>
      tpu.enqueue_dma source(%dma_start3A_218 : memref<128x32xf32, #tpu.memory_space<vmem>>) target(%dma_start3A_215 : memref<128x32xf32, #tpu.memory_space<hbm>>) target_semaphore(%run_scoped3A : memref<!tpu.dma_semaphore, #tpu.memory_space<semaphore_mem>>)
      %dma_wait3A_219 = arith.constant 256 : i32
      %dma_wait3A_220 = arith.constant 0 : i32
      %dma_wait3A_221 = tpu.memref_slice %arg6[%dma_wait3A_219, %dma_wait3A_220] : memref<1024x32xf32, #tpu.memory_space<vmem>> -> memref<128x32xf32, #tpu.memory_space<vmem>>
      %dma_wait3A_222 = arith.constant 64 : i32
      %dma_wait3A_223 = tpu.memref_slice %arg4[%mul3A_178, %dma_wait3A_222] : memref<8192x128xf32, #tpu.memory_space<hbm>> -> memref<128x32xf32, #tpu.memory_space<hbm>>
      %dma_wait3A_224 = arith.constant 64 : i32
      %dma_wait3A_225 = tpu.memref_slice %arg4[%mul3A_178, %dma_wait3A_224] : memref<8192x128xf32, #tpu.memory_space<hbm>> -> memref<128x32xf32, #tpu.memory_space<hbm>>
      %dma_wait3A_226 = arith.constant 256 : i32
      %dma_wait3A_227 = arith.constant 0 : i32
      %dma_wait3A_228 = tpu.memref_slice %arg6[%dma_wait3A_226, %dma_wait3A_227] : memref<1024x32xf32, #tpu.memory_space<vmem>> -> memref<128x32xf32, #tpu.memory_space<vmem>>
      tpu.wait_dma2 semaphore(%run_scoped3A : memref<!tpu.dma_semaphore, #tpu.memory_space<semaphore_mem>>) src(%dma_wait3A_228 : memref<128x32xf32, #tpu.memory_space<vmem>>) dst(%dma_wait3A_225 : memref<128x32xf32, #tpu.memory_space<hbm>>)
      tpu.yield
    }) : () -> ()
    %mul3A_179 = arith.constant 2 : i32
    %mul3A_180 = arith.muli %mul3A_179, %add3A : i32
    %add3A_181 = arith.constant 0 : i32
    %add3A_182 = arith.addi %mul3A_180, %add3A_181 : i32
    %mul3A_183 = arith.constant 128 : i32
    %mul3A_184 = arith.muli %add3A_182, %mul3A_183 : i32
    "tpu.region"() ({
      %run_scoped3A = tpu.sem_alloc : memref<!tpu.dma_semaphore, #tpu.memory_space<semaphore_mem>>
      %dma_start3A_209 = arith.constant 384 : i32
      %dma_start3A_210 = arith.constant 0 : i32
      %dma_start3A_211 = tpu.memref_slice %arg6[%dma_start3A_209, %dma_start3A_210] : memref<1024x32xf32, #tpu.memory_space<vmem>> -> memref<128x32xf32, #tpu.memory_space<vmem>>
      %dma_start3A_212 = arith.constant 96 : i32
      %dma_start3A_213 = tpu.memref_slice %arg4[%mul3A_184, %dma_start3A_212] : memref<8192x128xf32, #tpu.memory_space<hbm>> -> memref<128x32xf32, #tpu.memory_space<hbm>>
      %dma_start3A_214 = arith.constant 96 : i32
      %dma_start3A_215 = tpu.memref_slice %arg4[%mul3A_184, %dma_start3A_214] : memref<8192x128xf32, #tpu.memory_space<hbm>> -> memref<128x32xf32, #tpu.memory_space<hbm>>
      %dma_start3A_216 = arith.constant 384 : i32
      %dma_start3A_217 = arith.constant 0 : i32
      %dma_start3A_218 = tpu.memref_slice %arg6[%dma_start3A_216, %dma_start3A_217] : memref<1024x32xf32, #tpu.memory_space<vmem>> -> memref<128x32xf32, #tpu.memory_space<vmem>>
      tpu.enqueue_dma source(%dma_start3A_218 : memref<128x32xf32, #tpu.memory_space<vmem>>) target(%dma_start3A_215 : memref<128x32xf32, #tpu.memory_space<hbm>>) target_semaphore(%run_scoped3A : memref<!tpu.dma_semaphore, #tpu.memory_space<semaphore_mem>>)
      %dma_wait3A_219 = arith.constant 384 : i32
      %dma_wait3A_220 = arith.constant 0 : i32
      %dma_wait3A_221 = tpu.memref_slice %arg6[%dma_wait3A_219, %dma_wait3A_220] : memref<1024x32xf32, #tpu.memory_space<vmem>> -> memref<128x32xf32, #tpu.memory_space<vmem>>
      %dma_wait3A_222 = arith.constant 96 : i32
      %dma_wait3A_223 = tpu.memref_slice %arg4[%mul3A_184, %dma_wait3A_222] : memref<8192x128xf32, #tpu.memory_space<hbm>> -> memref<128x32xf32, #tpu.memory_space<hbm>>
      %dma_wait3A_224 = arith.constant 96 : i32
      %dma_wait3A_225 = tpu.memref_slice %arg4[%mul3A_184, %dma_wait3A_224] : memref<8192x128xf32, #tpu.memory_space<hbm>> -> memref<128x32xf32, #tpu.memory_space<hbm>>
      %dma_wait3A_226 = arith.constant 384 : i32
      %dma_wait3A_227 = arith.constant 0 : i32
      %dma_wait3A_228 = tpu.memref_slice %arg6[%dma_wait3A_226, %dma_wait3A_227] : memref<1024x32xf32, #tpu.memory_space<vmem>> -> memref<128x32xf32, #tpu.memory_space<vmem>>
      tpu.wait_dma2 semaphore(%run_scoped3A : memref<!tpu.dma_semaphore, #tpu.memory_space<semaphore_mem>>) src(%dma_wait3A_228 : memref<128x32xf32, #tpu.memory_space<vmem>>) dst(%dma_wait3A_225 : memref<128x32xf32, #tpu.memory_space<hbm>>)
      tpu.yield
    }) : () -> ()
    %mul3A_185 = arith.constant 2 : i32
    %mul3A_186 = arith.muli %mul3A_185, %add3A : i32
    %add3A_187 = arith.constant 1 : i32
    %add3A_188 = arith.addi %mul3A_186, %add3A_187 : i32
    %mul3A_189 = arith.constant 128 : i32
    %mul3A_190 = arith.muli %add3A_188, %mul3A_189 : i32
    "tpu.region"() ({
      %run_scoped3A = tpu.sem_alloc : memref<!tpu.dma_semaphore, #tpu.memory_space<semaphore_mem>>
      %dma_start3A_209 = arith.constant 512 : i32
      %dma_start3A_210 = arith.constant 0 : i32
      %dma_start3A_211 = tpu.memref_slice %arg6[%dma_start3A_209, %dma_start3A_210] : memref<1024x32xf32, #tpu.memory_space<vmem>> -> memref<128x32xf32, #tpu.memory_space<vmem>>
      %dma_start3A_212 = arith.constant 0 : i32
      %dma_start3A_213 = tpu.memref_slice %arg4[%mul3A_190, %dma_start3A_212] : memref<8192x128xf32, #tpu.memory_space<hbm>> -> memref<128x32xf32, #tpu.memory_space<hbm>>
      %dma_start3A_214 = arith.constant 0 : i32
      %dma_start3A_215 = tpu.memref_slice %arg4[%mul3A_190, %dma_start3A_214] : memref<8192x128xf32, #tpu.memory_space<hbm>> -> memref<128x32xf32, #tpu.memory_space<hbm>>
      %dma_start3A_216 = arith.constant 512 : i32
      %dma_start3A_217 = arith.constant 0 : i32
      %dma_start3A_218 = tpu.memref_slice %arg6[%dma_start3A_216, %dma_start3A_217] : memref<1024x32xf32, #tpu.memory_space<vmem>> -> memref<128x32xf32, #tpu.memory_space<vmem>>
      tpu.enqueue_dma source(%dma_start3A_218 : memref<128x32xf32, #tpu.memory_space<vmem>>) target(%dma_start3A_215 : memref<128x32xf32, #tpu.memory_space<hbm>>) target_semaphore(%run_scoped3A : memref<!tpu.dma_semaphore, #tpu.memory_space<semaphore_mem>>)
      %dma_wait3A_219 = arith.constant 512 : i32
      %dma_wait3A_220 = arith.constant 0 : i32
      %dma_wait3A_221 = tpu.memref_slice %arg6[%dma_wait3A_219, %dma_wait3A_220] : memref<1024x32xf32, #tpu.memory_space<vmem>> -> memref<128x32xf32, #tpu.memory_space<vmem>>
      %dma_wait3A_222 = arith.constant 0 : i32
      %dma_wait3A_223 = tpu.memref_slice %arg4[%mul3A_190, %dma_wait3A_222] : memref<8192x128xf32, #tpu.memory_space<hbm>> -> memref<128x32xf32, #tpu.memory_space<hbm>>
      %dma_wait3A_224 = arith.constant 0 : i32
      %dma_wait3A_225 = tpu.memref_slice %arg4[%mul3A_190, %dma_wait3A_224] : memref<8192x128xf32, #tpu.memory_space<hbm>> -> memref<128x32xf32, #tpu.memory_space<hbm>>
      %dma_wait3A_226 = arith.constant 512 : i32
      %dma_wait3A_227 = arith.constant 0 : i32
      %dma_wait3A_228 = tpu.memref_slice %arg6[%dma_wait3A_226, %dma_wait3A_227] : memref<1024x32xf32, #tpu.memory_space<vmem>> -> memref<128x32xf32, #tpu.memory_space<vmem>>
      tpu.wait_dma2 semaphore(%run_scoped3A : memref<!tpu.dma_semaphore, #tpu.memory_space<semaphore_mem>>) src(%dma_wait3A_228 : memref<128x32xf32, #tpu.memory_space<vmem>>) dst(%dma_wait3A_225 : memref<128x32xf32, #tpu.memory_space<hbm>>)
      tpu.yield
    }) : () -> ()
    %mul3A_191 = arith.constant 2 : i32
    %mul3A_192 = arith.muli %mul3A_191, %add3A : i32
    %add3A_193 = arith.constant 1 : i32
    %add3A_194 = arith.addi %mul3A_192, %add3A_193 : i32
    %mul3A_195 = arith.constant 128 : i32
    %mul3A_196 = arith.muli %add3A_194, %mul3A_195 : i32
    "tpu.region"() ({
      %run_scoped3A = tpu.sem_alloc : memref<!tpu.dma_semaphore, #tpu.memory_space<semaphore_mem>>
      %dma_start3A_209 = arith.constant 640 : i32
      %dma_start3A_210 = arith.constant 0 : i32
      %dma_start3A_211 = tpu.memref_slice %arg6[%dma_start3A_209, %dma_start3A_210] : memref<1024x32xf32, #tpu.memory_space<vmem>> -> memref<128x32xf32, #tpu.memory_space<vmem>>
      %dma_start3A_212 = arith.constant 32 : i32
      %dma_start3A_213 = tpu.memref_slice %arg4[%mul3A_196, %dma_start3A_212] : memref<8192x128xf32, #tpu.memory_space<hbm>> -> memref<128x32xf32, #tpu.memory_space<hbm>>
      %dma_start3A_214 = arith.constant 32 : i32
      %dma_start3A_215 = tpu.memref_slice %arg4[%mul3A_196, %dma_start3A_214] : memref<8192x128xf32, #tpu.memory_space<hbm>> -> memref<128x32xf32, #tpu.memory_space<hbm>>
      %dma_start3A_216 = arith.constant 640 : i32
      %dma_start3A_217 = arith.constant 0 : i32
      %dma_start3A_218 = tpu.memref_slice %arg6[%dma_start3A_216, %dma_start3A_217] : memref<1024x32xf32, #tpu.memory_space<vmem>> -> memref<128x32xf32, #tpu.memory_space<vmem>>
      tpu.enqueue_dma source(%dma_start3A_218 : memref<128x32xf32, #tpu.memory_space<vmem>>) target(%dma_start3A_215 : memref<128x32xf32, #tpu.memory_space<hbm>>) target_semaphore(%run_scoped3A : memref<!tpu.dma_semaphore, #tpu.memory_space<semaphore_mem>>)
      %dma_wait3A_219 = arith.constant 640 : i32
      %dma_wait3A_220 = arith.constant 0 : i32
      %dma_wait3A_221 = tpu.memref_slice %arg6[%dma_wait3A_219, %dma_wait3A_220] : memref<1024x32xf32, #tpu.memory_space<vmem>> -> memref<128x32xf32, #tpu.memory_space<vmem>>
      %dma_wait3A_222 = arith.constant 32 : i32
      %dma_wait3A_223 = tpu.memref_slice %arg4[%mul3A_196, %dma_wait3A_222] : memref<8192x128xf32, #tpu.memory_space<hbm>> -> memref<128x32xf32, #tpu.memory_space<hbm>>
      %dma_wait3A_224 = arith.constant 32 : i32
      %dma_wait3A_225 = tpu.memref_slice %arg4[%mul3A_196, %dma_wait3A_224] : memref<8192x128xf32, #tpu.memory_space<hbm>> -> memref<128x32xf32, #tpu.memory_space<hbm>>
      %dma_wait3A_226 = arith.constant 640 : i32
      %dma_wait3A_227 = arith.constant 0 : i32
      %dma_wait3A_228 = tpu.memref_slice %arg6[%dma_wait3A_226, %dma_wait3A_227] : memref<1024x32xf32, #tpu.memory_space<vmem>> -> memref<128x32xf32, #tpu.memory_space<vmem>>
      tpu.wait_dma2 semaphore(%run_scoped3A : memref<!tpu.dma_semaphore, #tpu.memory_space<semaphore_mem>>) src(%dma_wait3A_228 : memref<128x32xf32, #tpu.memory_space<vmem>>) dst(%dma_wait3A_225 : memref<128x32xf32, #tpu.memory_space<hbm>>)
      tpu.yield
    }) : () -> ()
    %mul3A_197 = arith.constant 2 : i32
    %mul3A_198 = arith.muli %mul3A_197, %add3A : i32
    %add3A_199 = arith.constant 1 : i32
    %add3A_200 = arith.addi %mul3A_198, %add3A_199 : i32
    %mul3A_201 = arith.constant 128 : i32
    %mul3A_202 = arith.muli %add3A_200, %mul3A_201 : i32
    "tpu.region"() ({
      %run_scoped3A = tpu.sem_alloc : memref<!tpu.dma_semaphore, #tpu.memory_space<semaphore_mem>>
      %dma_start3A_209 = arith.constant 768 : i32
      %dma_start3A_210 = arith.constant 0 : i32
      %dma_start3A_211 = tpu.memref_slice %arg6[%dma_start3A_209, %dma_start3A_210] : memref<1024x32xf32, #tpu.memory_space<vmem>> -> memref<128x32xf32, #tpu.memory_space<vmem>>
      %dma_start3A_212 = arith.constant 64 : i32
      %dma_start3A_213 = tpu.memref_slice %arg4[%mul3A_202, %dma_start3A_212] : memref<8192x128xf32, #tpu.memory_space<hbm>> -> memref<128x32xf32, #tpu.memory_space<hbm>>
      %dma_start3A_214 = arith.constant 64 : i32
      %dma_start3A_215 = tpu.memref_slice %arg4[%mul3A_202, %dma_start3A_214] : memref<8192x128xf32, #tpu.memory_space<hbm>> -> memref<128x32xf32, #tpu.memory_space<hbm>>
      %dma_start3A_216 = arith.constant 768 : i32
      %dma_start3A_217 = arith.constant 0 : i32
      %dma_start3A_218 = tpu.memref_slice %arg6[%dma_start3A_216, %dma_start3A_217] : memref<1024x32xf32, #tpu.memory_space<vmem>> -> memref<128x32xf32, #tpu.memory_space<vmem>>
      tpu.enqueue_dma source(%dma_start3A_218 : memref<128x32xf32, #tpu.memory_space<vmem>>) target(%dma_start3A_215 : memref<128x32xf32, #tpu.memory_space<hbm>>) target_semaphore(%run_scoped3A : memref<!tpu.dma_semaphore, #tpu.memory_space<semaphore_mem>>)
      %dma_wait3A_219 = arith.constant 768 : i32
      %dma_wait3A_220 = arith.constant 0 : i32
      %dma_wait3A_221 = tpu.memref_slice %arg6[%dma_wait3A_219, %dma_wait3A_220] : memref<1024x32xf32, #tpu.memory_space<vmem>> -> memref<128x32xf32, #tpu.memory_space<vmem>>
      %dma_wait3A_222 = arith.constant 64 : i32
      %dma_wait3A_223 = tpu.memref_slice %arg4[%mul3A_202, %dma_wait3A_222] : memref<8192x128xf32, #tpu.memory_space<hbm>> -> memref<128x32xf32, #tpu.memory_space<hbm>>
      %dma_wait3A_224 = arith.constant 64 : i32
      %dma_wait3A_225 = tpu.memref_slice %arg4[%mul3A_202, %dma_wait3A_224] : memref<8192x128xf32, #tpu.memory_space<hbm>> -> memref<128x32xf32, #tpu.memory_space<hbm>>
      %dma_wait3A_226 = arith.constant 768 : i32
      %dma_wait3A_227 = arith.constant 0 : i32
      %dma_wait3A_228 = tpu.memref_slice %arg6[%dma_wait3A_226, %dma_wait3A_227] : memref<1024x32xf32, #tpu.memory_space<vmem>> -> memref<128x32xf32, #tpu.memory_space<vmem>>
      tpu.wait_dma2 semaphore(%run_scoped3A : memref<!tpu.dma_semaphore, #tpu.memory_space<semaphore_mem>>) src(%dma_wait3A_228 : memref<128x32xf32, #tpu.memory_space<vmem>>) dst(%dma_wait3A_225 : memref<128x32xf32, #tpu.memory_space<hbm>>)
      tpu.yield
    }) : () -> ()
    %mul3A_203 = arith.constant 2 : i32
    %mul3A_204 = arith.muli %mul3A_203, %add3A : i32
    %add3A_205 = arith.constant 1 : i32
    %add3A_206 = arith.addi %mul3A_204, %add3A_205 : i32
    %mul3A_207 = arith.constant 128 : i32
    %mul3A_208 = arith.muli %add3A_206, %mul3A_207 : i32
    "tpu.region"() ({
      %run_scoped3A = tpu.sem_alloc : memref<!tpu.dma_semaphore, #tpu.memory_space<semaphore_mem>>
      %dma_start3A_209 = arith.constant 896 : i32
      %dma_start3A_210 = arith.constant 0 : i32
      %dma_start3A_211 = tpu.memref_slice %arg6[%dma_start3A_209, %dma_start3A_210] : memref<1024x32xf32, #tpu.memory_space<vmem>> -> memref<128x32xf32, #tpu.memory_space<vmem>>
      %dma_start3A_212 = arith.constant 96 : i32
      %dma_start3A_213 = tpu.memref_slice %arg4[%mul3A_208, %dma_start3A_212] : memref<8192x128xf32, #tpu.memory_space<hbm>> -> memref<128x32xf32, #tpu.memory_space<hbm>>
      %dma_start3A_214 = arith.constant 96 : i32
      %dma_start3A_215 = tpu.memref_slice %arg4[%mul3A_208, %dma_start3A_214] : memref<8192x128xf32, #tpu.memory_space<hbm>> -> memref<128x32xf32, #tpu.memory_space<hbm>>
      %dma_start3A_216 = arith.constant 896 : i32
      %dma_start3A_217 = arith.constant 0 : i32
      %dma_start3A_218 = tpu.memref_slice %arg6[%dma_start3A_216, %dma_start3A_217] : memref<1024x32xf32, #tpu.memory_space<vmem>> -> memref<128x32xf32, #tpu.memory_space<vmem>>
      tpu.enqueue_dma source(%dma_start3A_218 : memref<128x32xf32, #tpu.memory_space<vmem>>) target(%dma_start3A_215 : memref<128x32xf32, #tpu.memory_space<hbm>>) target_semaphore(%run_scoped3A : memref<!tpu.dma_semaphore, #tpu.memory_space<semaphore_mem>>)
      %dma_wait3A_219 = arith.constant 896 : i32
      %dma_wait3A_220 = arith.constant 0 : i32
      %dma_wait3A_221 = tpu.memref_slice %arg6[%dma_wait3A_219, %dma_wait3A_220] : memref<1024x32xf32, #tpu.memory_space<vmem>> -> memref<128x32xf32, #tpu.memory_space<vmem>>
      %dma_wait3A_222 = arith.constant 96 : i32
      %dma_wait3A_223 = tpu.memref_slice %arg4[%mul3A_208, %dma_wait3A_222] : memref<8192x128xf32, #tpu.memory_space<hbm>> -> memref<128x32xf32, #tpu.memory_space<hbm>>
      %dma_wait3A_224 = arith.constant 96 : i32
      %dma_wait3A_225 = tpu.memref_slice %arg4[%mul3A_208, %dma_wait3A_224] : memref<8192x128xf32, #tpu.memory_space<hbm>> -> memref<128x32xf32, #tpu.memory_space<hbm>>
      %dma_wait3A_226 = arith.constant 896 : i32
      %dma_wait3A_227 = arith.constant 0 : i32
      %dma_wait3A_228 = tpu.memref_slice %arg6[%dma_wait3A_226, %dma_wait3A_227] : memref<1024x32xf32, #tpu.memory_space<vmem>> -> memref<128x32xf32, #tpu.memory_space<vmem>>
      tpu.wait_dma2 semaphore(%run_scoped3A : memref<!tpu.dma_semaphore, #tpu.memory_space<semaphore_mem>>) src(%dma_wait3A_228 : memref<128x32xf32, #tpu.memory_space<vmem>>) dst(%dma_wait3A_225 : memref<128x32xf32, #tpu.memory_space<hbm>>)
      tpu.yield
    }) : () -> ()
    return
  }
}

module attributes {stable_mosaic.version = 14 : i64} {
  func.func @_tc_body(%arg0: i32, %arg1: memref<1024x128xf32, #tpu.memory_space<vmem>>, %arg2: memref<1024x1xi8, #tpu.memory_space<vmem>>, %arg3: memref<32x128xf32, #tpu.memory_space<vmem>>, %arg4: memref<512x128xf32, #tpu.memory_space<vmem>>, %arg5: memref<1x128xf32, #tpu.memory_space<vmem>>, %arg6: memref<1x128xf32, #tpu.memory_space<vmem>>, %arg7: memref<1x128xf32, #tpu.memory_space<vmem>>, %arg8: memref<8x4x128x128xf32, #tpu.memory_space<vmem>>) attributes {dimension_semantics = [#tpu.dimension_semantics<arbitrary>], iteration_bounds = array<i64: 8>, scalar_prefetch = 0 : i64, scratch_operands = 0 : i64, tpu.core_type = #tpu.core_type<tc>, window_params = [{transform_indices = @transform_0, window_bounds = array<i64: 1024, 128>}, {transform_indices = @transform_1, window_bounds = array<i64: 1024, 1>}, {pipeline_mode = #tpu.pipeline_mode<synchronous>, transform_indices = @transform_2, window_bounds = array<i64: 32, 128>}, {pipeline_mode = #tpu.pipeline_mode<synchronous>, transform_indices = @transform_3, window_bounds = array<i64: 512, 128>}, {pipeline_mode = #tpu.pipeline_mode<synchronous>, transform_indices = @transform_4, window_bounds = array<i64: 1, 128>}, {pipeline_mode = #tpu.pipeline_mode<synchronous>, transform_indices = @transform_5, window_bounds = array<i64: 1, 128>}, {pipeline_mode = #tpu.pipeline_mode<synchronous>, transform_indices = @transform_6, window_bounds = array<i64: 1, 128>}, {transform_indices = @transform_7, window_bounds = array<i64: 8, 4, 128, 128>}]} {
    %get3A = arith.constant 0 : index
    %get3A_0 = arith.constant 0 : index
    %get3A_1 = vector.load %arg1[%get3A, %get3A_0] : memref<1024x128xf32, #tpu.memory_space<vmem>>, vector<1024x128xf32>
    %mul3A = arith.constant 5.000000e-01 : f32
    %mul3A_2 = vector.broadcast %mul3A : f32 to vector<1024x128xf32>
    %mul3A_3 = arith.mulf %mul3A_2, %get3A_1 : vector<1024x128xf32>
    %mul3A_4 = arith.constant 0.707106769 : f32
    %mul3A_5 = vector.broadcast %mul3A_4 : f32 to vector<1024x128xf32>
    %mul3A_6 = arith.mulf %get3A_1, %mul3A_5 : vector<1024x128xf32>
    %erf3A = math.erf %mul3A_6 : vector<1024x128xf32>
    %add3A = arith.constant 1.000000e+00 : f32
    %add3A_7 = vector.broadcast %add3A : f32 to vector<1024x128xf32>
    %add3A_8 = arith.addf %add3A_7, %erf3A : vector<1024x128xf32>
    %mul3A_9 = arith.mulf %mul3A_3, %add3A_8 : vector<1024x128xf32>
    %get3A_10 = arith.constant 0 : index
    %get3A_11 = arith.constant 0 : index
    %get3A_12 = vector.load %arg3[%get3A_10, %get3A_11] : memref<32x128xf32, #tpu.memory_space<vmem>>, vector<32x128xf32>
    %concatenate3A = tpu.concatenate %get3A_12, %get3A_12, %get3A_12, %get3A_12 in 0 : vector<32x128xf32>, vector<32x128xf32>, vector<32x128xf32>, vector<32x128xf32> -> vector<128x128xf32>
    %concatenate3A_13 = tpu.concatenate %concatenate3A, %concatenate3A, %concatenate3A, %concatenate3A in 1 : vector<128x128xf32>, vector<128x128xf32>, vector<128x128xf32>, vector<128x128xf32> -> vector<128x512xf32>
    %iota3A = tpu.iota {dimensions = array<i32: 0>} : vector<128x512xi32>
    %jit3A = arith.constant 32 : i32
    %div3A = vector.broadcast %jit3A : i32 to vector<128x512xi32>
    %div3A_14 = arith.divsi %iota3A, %div3A : vector<128x512xi32>
    %sign3A = arith.constant 0 : i32
    %sign3A_15 = vector.broadcast %sign3A : i32 to vector<128x512xi32>
    %sign3A_16 = arith.cmpi sgt, %iota3A, %sign3A_15 : vector<128x512xi32>
    %sign3A_17 = arith.extui %sign3A_16 : vector<128x512xi1> to vector<128x512xi32>
    %sign3A_18 = arith.constant 0 : i32
    %sign3A_19 = vector.broadcast %sign3A_18 : i32 to vector<128x512xi32>
    %sign3A_20 = arith.cmpi slt, %iota3A, %sign3A_19 : vector<128x512xi32>
    %sign3A_21 = arith.extui %sign3A_20 : vector<128x512xi1> to vector<128x512xi32>
    %sign3A_22 = arith.subi %sign3A_17, %sign3A_21 : vector<128x512xi32>
    %sign3A_23 = arith.constant 0 : i32
    %sign3A_24 = arith.cmpi sgt, %jit3A, %sign3A_23 : i32
    %sign3A_25 = arith.extui %sign3A_24 : i1 to i32
    %sign3A_26 = arith.constant 0 : i32
    %sign3A_27 = arith.cmpi slt, %jit3A, %sign3A_26 : i32
    %sign3A_28 = arith.extui %sign3A_27 : i1 to i32
    %sign3A_29 = arith.subi %sign3A_25, %sign3A_28 : i32
    %ne3A = vector.broadcast %sign3A_29 : i32 to vector<128x512xi32>
    %ne3A_30 = arith.cmpi ne, %sign3A_22, %ne3A : vector<128x512xi32>
    %rem3A = vector.broadcast %jit3A : i32 to vector<128x512xi32>
    %rem3A_31 = arith.remsi %iota3A, %rem3A : vector<128x512xi32>
    %ne3A_32 = arith.constant 0 : i32
    %ne3A_33 = vector.broadcast %ne3A_32 : i32 to vector<128x512xi32>
    %ne3A_34 = arith.cmpi ne, %rem3A_31, %ne3A_33 : vector<128x512xi32>
    %and3A = arith.andi %ne3A_30, %ne3A_34 : vector<128x512xi1>
    %sub3A = arith.constant 1 : i32
    %sub3A_35 = vector.broadcast %sub3A : i32 to vector<128x512xi32>
    %sub3A_36 = arith.subi %div3A_14, %sub3A_35 : vector<128x512xi32>
    %select_n3A = arith.select %and3A, %sub3A_36, %div3A_14 : vector<128x512xi1>, vector<128x512xi32>
    %iota3A_37 = tpu.iota {dimensions = array<i32: 1>} : vector<128x512xi32>
    %jit3A_38 = arith.constant 128 : i32
    %div3A_39 = vector.broadcast %jit3A_38 : i32 to vector<128x512xi32>
    %div3A_40 = arith.divsi %iota3A_37, %div3A_39 : vector<128x512xi32>
    %sign3A_41 = arith.constant 0 : i32
    %sign3A_42 = vector.broadcast %sign3A_41 : i32 to vector<128x512xi32>
    %sign3A_43 = arith.cmpi sgt, %iota3A_37, %sign3A_42 : vector<128x512xi32>
    %sign3A_44 = arith.extui %sign3A_43 : vector<128x512xi1> to vector<128x512xi32>
    %sign3A_45 = arith.constant 0 : i32
    %sign3A_46 = vector.broadcast %sign3A_45 : i32 to vector<128x512xi32>
    %sign3A_47 = arith.cmpi slt, %iota3A_37, %sign3A_46 : vector<128x512xi32>
    %sign3A_48 = arith.extui %sign3A_47 : vector<128x512xi1> to vector<128x512xi32>
    %sign3A_49 = arith.subi %sign3A_44, %sign3A_48 : vector<128x512xi32>
    %sign3A_50 = arith.constant 0 : i32
    %sign3A_51 = arith.cmpi sgt, %jit3A_38, %sign3A_50 : i32
    %sign3A_52 = arith.extui %sign3A_51 : i1 to i32
    %sign3A_53 = arith.constant 0 : i32
    %sign3A_54 = arith.cmpi slt, %jit3A_38, %sign3A_53 : i32
    %sign3A_55 = arith.extui %sign3A_54 : i1 to i32
    %sign3A_56 = arith.subi %sign3A_52, %sign3A_55 : i32
    %ne3A_57 = vector.broadcast %sign3A_56 : i32 to vector<128x512xi32>
    %ne3A_58 = arith.cmpi ne, %sign3A_49, %ne3A_57 : vector<128x512xi32>
    %rem3A_59 = vector.broadcast %jit3A_38 : i32 to vector<128x512xi32>
    %rem3A_60 = arith.remsi %iota3A_37, %rem3A_59 : vector<128x512xi32>
    %ne3A_61 = arith.constant 0 : i32
    %ne3A_62 = vector.broadcast %ne3A_61 : i32 to vector<128x512xi32>
    %ne3A_63 = arith.cmpi ne, %rem3A_60, %ne3A_62 : vector<128x512xi32>
    %and3A_64 = arith.andi %ne3A_58, %ne3A_63 : vector<128x512xi1>
    %sub3A_65 = arith.constant 1 : i32
    %sub3A_66 = vector.broadcast %sub3A_65 : i32 to vector<128x512xi32>
    %sub3A_67 = arith.subi %div3A_40, %sub3A_66 : vector<128x512xi32>
    %select_n3A_68 = arith.select %and3A_64, %sub3A_67, %div3A_40 : vector<128x512xi1>, vector<128x512xi32>
    %eq3A = arith.cmpi eq, %select_n3A, %select_n3A_68 : vector<128x512xi32>
    %jit3A_69 = arith.constant 0.000000e+00 : f32
    %broadcast_in_dim3A = vector.broadcast %jit3A_69 : f32 to vector<128x512xf32>
    %select_n3A_70 = arith.select %eq3A, %concatenate3A_13, %broadcast_in_dim3A : vector<128x512xi1>, vector<128x512xf32>
    %dot_general3A = arith.constant dense<0.000000e+00> : vector<1024x512xf32>
    %dot_general3A_71 = tpu.matmul %mul3A_9, %select_n3A_70, %dot_general3A {dimension_numbers = #tpu.dot_dimension_numbers<[1], [0], [0], [1], [0, 0, 1, 1], [], []>, transpose_lhs_hint = false} : vector<1024x128xf32>, vector<128x512xf32>, vector<1024x512xf32> -> vector<1024x512xf32>
    %get3A_72 = arith.constant 0 : index
    %get3A_73 = arith.constant 0 : index
    %get3A_74 = vector.load %arg5[%get3A_72, %get3A_73] : memref<1x128xf32, #tpu.memory_space<vmem>>, vector<1x128xf32>
    %reshape3A = vector.shape_cast %get3A_74 : vector<1x128xf32> to vector<1x1x128xf32>
    %get3A_75 = arith.constant 0 : index
    %get3A_76 = arith.constant 0 : index
    %get3A_77 = vector.load %arg6[%get3A_75, %get3A_76] : memref<1x128xf32, #tpu.memory_space<vmem>>, vector<1x128xf32>
    %reshape3A_78 = vector.shape_cast %get3A_77 : vector<1x128xf32> to vector<1x1x128xf32>
    %get3A_79 = arith.constant 0 : index
    %get3A_80 = arith.constant 0 : index
    %get3A_81 = vector.load %arg7[%get3A_79, %get3A_80] : memref<1x128xf32, #tpu.memory_space<vmem>>, vector<1x128xf32>
    %reshape3A_82 = vector.shape_cast %get3A_81 : vector<1x128xf32> to vector<1x1x128xf32>
    %get3A_83 = arith.constant 0 : index
    %get3A_84 = arith.constant 0 : index
    %get3A_85 = vector.load %arg2[%get3A_83, %get3A_84] : memref<1024x1xi8, #tpu.memory_space<vmem>>, vector<1024x1xi8>
    %convert_element_type3A = arith.extsi %get3A_85 : vector<1024x1xi8> to vector<1024x1xi32>
    %slice3A = vector.extract_strided_slice %dot_general3A_71 {offsets = [0, 0], sizes = [1024, 128], strides = [1, 1]} : vector<1024x512xf32> to vector<1024x128xf32>
    %reshape3A_86 = vector.shape_cast %slice3A : vector<1024x128xf32> to vector<8x128x128xf32>
    %shift_right_arithmetic3A = arith.constant 0 : i32
    %shift_right_arithmetic3A_87 = vector.broadcast %shift_right_arithmetic3A : i32 to vector<1024x1xi32>
    %shift_right_arithmetic3A_88 = arith.shrsi %convert_element_type3A, %shift_right_arithmetic3A_87 : vector<1024x1xi32>
    %and3A_89 = arith.constant 1 : i32
    %and3A_90 = vector.broadcast %and3A_89 : i32 to vector<1024x1xi32>
    %and3A_91 = arith.andi %shift_right_arithmetic3A_88, %and3A_90 : vector<1024x1xi32>
    %convert_element_type3A_92 = arith.sitofp %and3A_91 : vector<1024x1xi32> to vector<1024x1xf32>
    %reshape3A_93 = vector.shape_cast %convert_element_type3A_92 : vector<1024x1xf32> to vector<8x128x1xf32>
    %get3A_94 = arith.constant 0 : index
    %get3A_95 = arith.constant 0 : index
    %get3A_96 = vector.load %arg4[%get3A_94, %get3A_95] : memref<512x128xf32, #tpu.memory_space<vmem>>, vector<128x128xf32>
    %broadcast_in_dim3A_97 = vector.shape_cast %get3A_96 : vector<128x128xf32> to vector<1x128x128xf32>
    %add3A_98 = vector.broadcast %broadcast_in_dim3A_97 : vector<1x128x128xf32> to vector<8x128x128xf32>
    %add3A_99 = arith.addf %reshape3A_86, %add3A_98 : vector<8x128x128xf32>
    %mul3A_100 = vector.broadcast %reshape3A_93 : vector<8x128x1xf32> to vector<8x128x128xf32>
    %mul3A_101 = vector.broadcast %reshape3A : vector<1x1x128xf32> to vector<8x128x128xf32>
    %mul3A_102 = arith.mulf %mul3A_100, %mul3A_101 : vector<8x128x128xf32>
    %add3A_103 = arith.addf %add3A_99, %mul3A_102 : vector<8x128x128xf32>
    %reduce_sum3A = arith.constant dense<0.000000e+00> : vector<8x128xf32>
    %reduce_sum3A_104 = vector.multi_reduction <add>, %add3A_103, %reduce_sum3A [2] : vector<8x128x128xf32> to vector<8x128xf32>
    %broadcast_in_dim3A_105 = vector.shape_cast %reduce_sum3A_104 : vector<8x128xf32> to vector<8x128x1xf32>
    %div3A_106 = arith.constant 1.280000e+02 : f32
    %div3A_107 = vector.broadcast %div3A_106 : f32 to vector<8x128x1xf32>
    %div3A_108 = arith.divf %broadcast_in_dim3A_105, %div3A_107 : vector<8x128x1xf32>
    %sub3A_109 = vector.broadcast %div3A_108 : vector<8x128x1xf32> to vector<8x128x128xf32>
    %sub3A_110 = arith.subf %add3A_103, %sub3A_109 : vector<8x128x128xf32>
    %mul3A_111 = arith.mulf %sub3A_110, %sub3A_110 : vector<8x128x128xf32>
    %reduce_sum3A_112 = arith.constant dense<0.000000e+00> : vector<8x128xf32>
    %reduce_sum3A_113 = vector.multi_reduction <add>, %mul3A_111, %reduce_sum3A_112 [2] : vector<8x128x128xf32> to vector<8x128xf32>
    %broadcast_in_dim3A_114 = vector.shape_cast %reduce_sum3A_113 : vector<8x128xf32> to vector<8x128x1xf32>
    %div3A_115 = arith.constant 1.280000e+02 : f32
    %div3A_116 = vector.broadcast %div3A_115 : f32 to vector<8x128x1xf32>
    %div3A_117 = arith.divf %broadcast_in_dim3A_114, %div3A_116 : vector<8x128x1xf32>
    %add3A_118 = arith.constant 9.99999996E-13 : f32
    %add3A_119 = vector.broadcast %add3A_118 : f32 to vector<8x128x1xf32>
    %add3A_120 = arith.addf %div3A_117, %add3A_119 : vector<8x128x1xf32>
    %rsqrt3A = math.rsqrt %add3A_120 : vector<8x128x1xf32>
    %mul3A_121 = vector.broadcast %rsqrt3A : vector<8x128x1xf32> to vector<8x128x128xf32>
    %mul3A_122 = arith.mulf %sub3A_110, %mul3A_121 : vector<8x128x128xf32>
    %mul3A_123 = vector.broadcast %reshape3A_78 : vector<1x1x128xf32> to vector<8x128x128xf32>
    %mul3A_124 = arith.mulf %mul3A_122, %mul3A_123 : vector<8x128x128xf32>
    %add3A_125 = vector.broadcast %reshape3A_82 : vector<1x1x128xf32> to vector<8x128x128xf32>
    %add3A_126 = arith.addf %mul3A_124, %add3A_125 : vector<8x128x128xf32>
    %slice3A_127 = vector.extract_strided_slice %dot_general3A_71 {offsets = [0, 128], sizes = [1024, 128], strides = [1, 1]} : vector<1024x512xf32> to vector<1024x128xf32>
    %reshape3A_128 = vector.shape_cast %slice3A_127 : vector<1024x128xf32> to vector<8x128x128xf32>
    %shift_right_arithmetic3A_129 = arith.constant 1 : i32
    %shift_right_arithmetic3A_130 = vector.broadcast %shift_right_arithmetic3A_129 : i32 to vector<1024x1xi32>
    %shift_right_arithmetic3A_131 = arith.shrsi %convert_element_type3A, %shift_right_arithmetic3A_130 : vector<1024x1xi32>
    %and3A_132 = arith.constant 1 : i32
    %and3A_133 = vector.broadcast %and3A_132 : i32 to vector<1024x1xi32>
    %and3A_134 = arith.andi %shift_right_arithmetic3A_131, %and3A_133 : vector<1024x1xi32>
    %convert_element_type3A_135 = arith.sitofp %and3A_134 : vector<1024x1xi32> to vector<1024x1xf32>
    %reshape3A_136 = vector.shape_cast %convert_element_type3A_135 : vector<1024x1xf32> to vector<8x128x1xf32>
    %get3A_137 = arith.constant 128 : index
    %get3A_138 = arith.constant 0 : index
    %get3A_139 = vector.load %arg4[%get3A_137, %get3A_138] : memref<512x128xf32, #tpu.memory_space<vmem>>, vector<128x128xf32>
    %broadcast_in_dim3A_140 = vector.shape_cast %get3A_139 : vector<128x128xf32> to vector<1x128x128xf32>
    %add3A_141 = vector.broadcast %broadcast_in_dim3A_140 : vector<1x128x128xf32> to vector<8x128x128xf32>
    %add3A_142 = arith.addf %reshape3A_128, %add3A_141 : vector<8x128x128xf32>
    %mul3A_143 = vector.broadcast %reshape3A_136 : vector<8x128x1xf32> to vector<8x128x128xf32>
    %mul3A_144 = vector.broadcast %reshape3A : vector<1x1x128xf32> to vector<8x128x128xf32>
    %mul3A_145 = arith.mulf %mul3A_143, %mul3A_144 : vector<8x128x128xf32>
    %add3A_146 = arith.addf %add3A_142, %mul3A_145 : vector<8x128x128xf32>
    %reduce_sum3A_147 = arith.constant dense<0.000000e+00> : vector<8x128xf32>
    %reduce_sum3A_148 = vector.multi_reduction <add>, %add3A_146, %reduce_sum3A_147 [2] : vector<8x128x128xf32> to vector<8x128xf32>
    %broadcast_in_dim3A_149 = vector.shape_cast %reduce_sum3A_148 : vector<8x128xf32> to vector<8x128x1xf32>
    %div3A_150 = arith.constant 1.280000e+02 : f32
    %div3A_151 = vector.broadcast %div3A_150 : f32 to vector<8x128x1xf32>
    %div3A_152 = arith.divf %broadcast_in_dim3A_149, %div3A_151 : vector<8x128x1xf32>
    %sub3A_153 = vector.broadcast %div3A_152 : vector<8x128x1xf32> to vector<8x128x128xf32>
    %sub3A_154 = arith.subf %add3A_146, %sub3A_153 : vector<8x128x128xf32>
    %mul3A_155 = arith.mulf %sub3A_154, %sub3A_154 : vector<8x128x128xf32>
    %reduce_sum3A_156 = arith.constant dense<0.000000e+00> : vector<8x128xf32>
    %reduce_sum3A_157 = vector.multi_reduction <add>, %mul3A_155, %reduce_sum3A_156 [2] : vector<8x128x128xf32> to vector<8x128xf32>
    %broadcast_in_dim3A_158 = vector.shape_cast %reduce_sum3A_157 : vector<8x128xf32> to vector<8x128x1xf32>
    %div3A_159 = arith.constant 1.280000e+02 : f32
    %div3A_160 = vector.broadcast %div3A_159 : f32 to vector<8x128x1xf32>
    %div3A_161 = arith.divf %broadcast_in_dim3A_158, %div3A_160 : vector<8x128x1xf32>
    %add3A_162 = arith.constant 9.99999996E-13 : f32
    %add3A_163 = vector.broadcast %add3A_162 : f32 to vector<8x128x1xf32>
    %add3A_164 = arith.addf %div3A_161, %add3A_163 : vector<8x128x1xf32>
    %rsqrt3A_165 = math.rsqrt %add3A_164 : vector<8x128x1xf32>
    %mul3A_166 = vector.broadcast %rsqrt3A_165 : vector<8x128x1xf32> to vector<8x128x128xf32>
    %mul3A_167 = arith.mulf %sub3A_154, %mul3A_166 : vector<8x128x128xf32>
    %mul3A_168 = vector.broadcast %reshape3A_78 : vector<1x1x128xf32> to vector<8x128x128xf32>
    %mul3A_169 = arith.mulf %mul3A_167, %mul3A_168 : vector<8x128x128xf32>
    %add3A_170 = vector.broadcast %reshape3A_82 : vector<1x1x128xf32> to vector<8x128x128xf32>
    %add3A_171 = arith.addf %mul3A_169, %add3A_170 : vector<8x128x128xf32>
    %slice3A_172 = vector.extract_strided_slice %dot_general3A_71 {offsets = [0, 256], sizes = [1024, 128], strides = [1, 1]} : vector<1024x512xf32> to vector<1024x128xf32>
    %reshape3A_173 = vector.shape_cast %slice3A_172 : vector<1024x128xf32> to vector<8x128x128xf32>
    %shift_right_arithmetic3A_174 = arith.constant 2 : i32
    %shift_right_arithmetic3A_175 = vector.broadcast %shift_right_arithmetic3A_174 : i32 to vector<1024x1xi32>
    %shift_right_arithmetic3A_176 = arith.shrsi %convert_element_type3A, %shift_right_arithmetic3A_175 : vector<1024x1xi32>
    %and3A_177 = arith.constant 1 : i32
    %and3A_178 = vector.broadcast %and3A_177 : i32 to vector<1024x1xi32>
    %and3A_179 = arith.andi %shift_right_arithmetic3A_176, %and3A_178 : vector<1024x1xi32>
    %convert_element_type3A_180 = arith.sitofp %and3A_179 : vector<1024x1xi32> to vector<1024x1xf32>
    %reshape3A_181 = vector.shape_cast %convert_element_type3A_180 : vector<1024x1xf32> to vector<8x128x1xf32>
    %get3A_182 = arith.constant 256 : index
    %get3A_183 = arith.constant 0 : index
    %get3A_184 = vector.load %arg4[%get3A_182, %get3A_183] : memref<512x128xf32, #tpu.memory_space<vmem>>, vector<128x128xf32>
    %broadcast_in_dim3A_185 = vector.shape_cast %get3A_184 : vector<128x128xf32> to vector<1x128x128xf32>
    %add3A_186 = vector.broadcast %broadcast_in_dim3A_185 : vector<1x128x128xf32> to vector<8x128x128xf32>
    %add3A_187 = arith.addf %reshape3A_173, %add3A_186 : vector<8x128x128xf32>
    %mul3A_188 = vector.broadcast %reshape3A_181 : vector<8x128x1xf32> to vector<8x128x128xf32>
    %mul3A_189 = vector.broadcast %reshape3A : vector<1x1x128xf32> to vector<8x128x128xf32>
    %mul3A_190 = arith.mulf %mul3A_188, %mul3A_189 : vector<8x128x128xf32>
    %add3A_191 = arith.addf %add3A_187, %mul3A_190 : vector<8x128x128xf32>
    %reduce_sum3A_192 = arith.constant dense<0.000000e+00> : vector<8x128xf32>
    %reduce_sum3A_193 = vector.multi_reduction <add>, %add3A_191, %reduce_sum3A_192 [2] : vector<8x128x128xf32> to vector<8x128xf32>
    %broadcast_in_dim3A_194 = vector.shape_cast %reduce_sum3A_193 : vector<8x128xf32> to vector<8x128x1xf32>
    %div3A_195 = arith.constant 1.280000e+02 : f32
    %div3A_196 = vector.broadcast %div3A_195 : f32 to vector<8x128x1xf32>
    %div3A_197 = arith.divf %broadcast_in_dim3A_194, %div3A_196 : vector<8x128x1xf32>
    %sub3A_198 = vector.broadcast %div3A_197 : vector<8x128x1xf32> to vector<8x128x128xf32>
    %sub3A_199 = arith.subf %add3A_191, %sub3A_198 : vector<8x128x128xf32>
    %mul3A_200 = arith.mulf %sub3A_199, %sub3A_199 : vector<8x128x128xf32>
    %reduce_sum3A_201 = arith.constant dense<0.000000e+00> : vector<8x128xf32>
    %reduce_sum3A_202 = vector.multi_reduction <add>, %mul3A_200, %reduce_sum3A_201 [2] : vector<8x128x128xf32> to vector<8x128xf32>
    %broadcast_in_dim3A_203 = vector.shape_cast %reduce_sum3A_202 : vector<8x128xf32> to vector<8x128x1xf32>
    %div3A_204 = arith.constant 1.280000e+02 : f32
    %div3A_205 = vector.broadcast %div3A_204 : f32 to vector<8x128x1xf32>
    %div3A_206 = arith.divf %broadcast_in_dim3A_203, %div3A_205 : vector<8x128x1xf32>
    %add3A_207 = arith.constant 9.99999996E-13 : f32
    %add3A_208 = vector.broadcast %add3A_207 : f32 to vector<8x128x1xf32>
    %add3A_209 = arith.addf %div3A_206, %add3A_208 : vector<8x128x1xf32>
    %rsqrt3A_210 = math.rsqrt %add3A_209 : vector<8x128x1xf32>
    %mul3A_211 = vector.broadcast %rsqrt3A_210 : vector<8x128x1xf32> to vector<8x128x128xf32>
    %mul3A_212 = arith.mulf %sub3A_199, %mul3A_211 : vector<8x128x128xf32>
    %mul3A_213 = vector.broadcast %reshape3A_78 : vector<1x1x128xf32> to vector<8x128x128xf32>
    %mul3A_214 = arith.mulf %mul3A_212, %mul3A_213 : vector<8x128x128xf32>
    %add3A_215 = vector.broadcast %reshape3A_82 : vector<1x1x128xf32> to vector<8x128x128xf32>
    %add3A_216 = arith.addf %mul3A_214, %add3A_215 : vector<8x128x128xf32>
    %slice3A_217 = vector.extract_strided_slice %dot_general3A_71 {offsets = [0, 384], sizes = [1024, 128], strides = [1, 1]} : vector<1024x512xf32> to vector<1024x128xf32>
    %reshape3A_218 = vector.shape_cast %slice3A_217 : vector<1024x128xf32> to vector<8x128x128xf32>
    %shift_right_arithmetic3A_219 = arith.constant 3 : i32
    %shift_right_arithmetic3A_220 = vector.broadcast %shift_right_arithmetic3A_219 : i32 to vector<1024x1xi32>
    %shift_right_arithmetic3A_221 = arith.shrsi %convert_element_type3A, %shift_right_arithmetic3A_220 : vector<1024x1xi32>
    %and3A_222 = arith.constant 1 : i32
    %and3A_223 = vector.broadcast %and3A_222 : i32 to vector<1024x1xi32>
    %and3A_224 = arith.andi %shift_right_arithmetic3A_221, %and3A_223 : vector<1024x1xi32>
    %convert_element_type3A_225 = arith.sitofp %and3A_224 : vector<1024x1xi32> to vector<1024x1xf32>
    %reshape3A_226 = vector.shape_cast %convert_element_type3A_225 : vector<1024x1xf32> to vector<8x128x1xf32>
    %get3A_227 = arith.constant 384 : index
    %get3A_228 = arith.constant 0 : index
    %get3A_229 = vector.load %arg4[%get3A_227, %get3A_228] : memref<512x128xf32, #tpu.memory_space<vmem>>, vector<128x128xf32>
    %broadcast_in_dim3A_230 = vector.shape_cast %get3A_229 : vector<128x128xf32> to vector<1x128x128xf32>
    %add3A_231 = vector.broadcast %broadcast_in_dim3A_230 : vector<1x128x128xf32> to vector<8x128x128xf32>
    %add3A_232 = arith.addf %reshape3A_218, %add3A_231 : vector<8x128x128xf32>
    %mul3A_233 = vector.broadcast %reshape3A_226 : vector<8x128x1xf32> to vector<8x128x128xf32>
    %mul3A_234 = vector.broadcast %reshape3A : vector<1x1x128xf32> to vector<8x128x128xf32>
    %mul3A_235 = arith.mulf %mul3A_233, %mul3A_234 : vector<8x128x128xf32>
    %add3A_236 = arith.addf %add3A_232, %mul3A_235 : vector<8x128x128xf32>
    %reduce_sum3A_237 = arith.constant dense<0.000000e+00> : vector<8x128xf32>
    %reduce_sum3A_238 = vector.multi_reduction <add>, %add3A_236, %reduce_sum3A_237 [2] : vector<8x128x128xf32> to vector<8x128xf32>
    %broadcast_in_dim3A_239 = vector.shape_cast %reduce_sum3A_238 : vector<8x128xf32> to vector<8x128x1xf32>
    %div3A_240 = arith.constant 1.280000e+02 : f32
    %div3A_241 = vector.broadcast %div3A_240 : f32 to vector<8x128x1xf32>
    %div3A_242 = arith.divf %broadcast_in_dim3A_239, %div3A_241 : vector<8x128x1xf32>
    %sub3A_243 = vector.broadcast %div3A_242 : vector<8x128x1xf32> to vector<8x128x128xf32>
    %sub3A_244 = arith.subf %add3A_236, %sub3A_243 : vector<8x128x128xf32>
    %mul3A_245 = arith.mulf %sub3A_244, %sub3A_244 : vector<8x128x128xf32>
    %reduce_sum3A_246 = arith.constant dense<0.000000e+00> : vector<8x128xf32>
    %reduce_sum3A_247 = vector.multi_reduction <add>, %mul3A_245, %reduce_sum3A_246 [2] : vector<8x128x128xf32> to vector<8x128xf32>
    %broadcast_in_dim3A_248 = vector.shape_cast %reduce_sum3A_247 : vector<8x128xf32> to vector<8x128x1xf32>
    %div3A_249 = arith.constant 1.280000e+02 : f32
    %div3A_250 = vector.broadcast %div3A_249 : f32 to vector<8x128x1xf32>
    %div3A_251 = arith.divf %broadcast_in_dim3A_248, %div3A_250 : vector<8x128x1xf32>
    %add3A_252 = arith.constant 9.99999996E-13 : f32
    %add3A_253 = vector.broadcast %add3A_252 : f32 to vector<8x128x1xf32>
    %add3A_254 = arith.addf %div3A_251, %add3A_253 : vector<8x128x1xf32>
    %rsqrt3A_255 = math.rsqrt %add3A_254 : vector<8x128x1xf32>
    %mul3A_256 = vector.broadcast %rsqrt3A_255 : vector<8x128x1xf32> to vector<8x128x128xf32>
    %mul3A_257 = arith.mulf %sub3A_244, %mul3A_256 : vector<8x128x128xf32>
    %mul3A_258 = vector.broadcast %reshape3A_78 : vector<1x1x128xf32> to vector<8x128x128xf32>
    %mul3A_259 = arith.mulf %mul3A_257, %mul3A_258 : vector<8x128x128xf32>
    %add3A_260 = vector.broadcast %reshape3A_82 : vector<1x1x128xf32> to vector<8x128x128xf32>
    %add3A_261 = arith.addf %mul3A_259, %add3A_260 : vector<8x128x128xf32>
    %stack3A = vector.shape_cast %add3A_126 : vector<8x128x128xf32> to vector<8x1x128x128xf32>
    %stack3A_262 = vector.shape_cast %add3A_171 : vector<8x128x128xf32> to vector<8x1x128x128xf32>
    %stack3A_263 = vector.shape_cast %add3A_216 : vector<8x128x128xf32> to vector<8x1x128x128xf32>
    %stack3A_264 = vector.shape_cast %add3A_261 : vector<8x128x128xf32> to vector<8x1x128x128xf32>
    %stack3A_265 = tpu.concatenate %stack3A, %stack3A_262, %stack3A_263, %stack3A_264 in 1 : vector<8x1x128x128xf32>, vector<8x1x128x128xf32>, vector<8x1x128x128xf32>, vector<8x1x128x128xf32> -> vector<8x4x128x128xf32>
    %swap3A = arith.constant 0 : index
    %swap3A_266 = arith.constant 0 : index
    %swap3A_267 = arith.constant 0 : index
    %swap3A_268 = arith.constant 0 : index
    %swap3A_269 = vector.load %arg8[%swap3A, %swap3A_266, %swap3A_267, %swap3A_268] : memref<8x4x128x128xf32, #tpu.memory_space<vmem>>, vector<8x4x128x128xf32>
    tpu.vector_store %arg8[%swap3A, %swap3A_266, %swap3A_267, %swap3A_268], %stack3A_265 {strides = array<i32>} : memref<8x4x128x128xf32, #tpu.memory_space<vmem>>, vector<8x4x128x128xf32>,
    return
  }
  func.func @transform_0(%arg0: i32) -> (i32, i32) {
    %c0_i32 = arith.constant 0 : i32
    %c0_i32_0 = arith.constant 0 : i32
    return %arg0, %c0_i32 : i32, i32
  }
  func.func @transform_1(%arg0: i32) -> (i32, i32) {
    %c0_i32 = arith.constant 0 : i32
    %c0_i32_0 = arith.constant 0 : i32
    return %arg0, %c0_i32 : i32, i32
  }
  func.func @transform_2(%arg0: i32) -> (i32, i32) {
    %c0_i32 = arith.constant 0 : i32
    %c0_i32_0 = arith.constant 0 : i32
    %c0_i32_1 = arith.constant 0 : i32
    return %c0_i32, %c0_i32_0 : i32, i32
  }
  func.func @transform_3(%arg0: i32) -> (i32, i32) {
    %c0_i32 = arith.constant 0 : i32
    %c0_i32_0 = arith.constant 0 : i32
    %c0_i32_1 = arith.constant 0 : i32
    return %c0_i32, %c0_i32_0 : i32, i32
  }
  func.func @transform_4(%arg0: i32) -> (i32, i32) {
    %c0_i32 = arith.constant 0 : i32
    %c0_i32_0 = arith.constant 0 : i32
    %c0_i32_1 = arith.constant 0 : i32
    return %c0_i32, %c0_i32_0 : i32, i32
  }
  func.func @transform_5(%arg0: i32) -> (i32, i32) {
    %c0_i32 = arith.constant 0 : i32
    %c0_i32_0 = arith.constant 0 : i32
    %c0_i32_1 = arith.constant 0 : i32
    return %c0_i32, %c0_i32_0 : i32, i32
  }
  func.func @transform_6(%arg0: i32) -> (i32, i32) {
    %c0_i32 = arith.constant 0 : i32
    %c0_i32_0 = arith.constant 0 : i32
    %c0_i32_1 = arith.constant 0 : i32
    return %c0_i32, %c0_i32_0 : i32, i32
  }
  func.func @transform_7(%arg0: i32) -> (i32, i32, i32, i32) {
    %c0_i32 = arith.constant 0 : i32
    %c0_i32_0 = arith.constant 0 : i32
    %c0_i32_1 = arith.constant 0 : i32
    %c0_i32_2 = arith.constant 0 : i32
    return %arg0, %c0_i32, %c0_i32_0, %c0_i32_1 : i32, i32, i32, i32
  }
}

</mosaic_0001>

<sc_bundles>
// kernel: kernel.4.cloned.1.call-start
scs
__scs_entry_jumppad:
0x0: {  	(pc) =	sbr.rel $0x88, $3  }
0x1: {  	(tag) =	ssettag $0x0;
	lr =	simm.s32 $0x1  }
0x2: {  	[smem:$0x3F98] =	sst lr;
	_ =	strace $0xD0000000  }
0x3: {  	_ = 	snop  }
0x4: {  	_ = 	snop  }
0x5: {  	_ = 	snop  }
0x6: {  	_ = 	snop  }
0x7: {  	_ = 	snop  }
__scs_overlays_trampoline_lowered:
0x8: {  	[smem:$0x3FA7] =	sst s0  }
0x9: {  	[smem:$0x3FA8] =	sst s1  }
0xa: {  	[smem:$0x3FA9] =	sst s2  }
0xb: {  	[smem:$0x3FAA] =	sst s3  }
0xc: {  	[smem:$0x3FAB] =	sst s4  }
0xd: {  	[smem:$0x3FAC] =	sst s5  }
0xe: {  	[smem:$0x3FAD] =	sst s6  }
0xf: {  	[smem:$0x3FAE] =	sst s7  }
0x10: {  	[smem:$0x3FAF] =	sst s8  }
0x11: {  	[smem:$0x3FB0] =	sst s9;
	s0 =	simm.s32 @!p0 $0x0  }
0x12: {  	s1 =	sld [smem:$0x3F96];
	s0 =	simm.s32 @p0 $0x1  }
0x13: {  	[smem:$0x3FB1] =	sst s0;
	s0 =	simm.s32 @!p1 $0x0  }
0x14: {  	s2 =	sld [smem:$0x3F95];
	s0 =	simm.s32 @p1 $0x1  }
0x15: {  	[smem:$0x3FB2] =	sst s0;
	s0 =	simm.s32 @!p2 $0x0  }
0x16: {  	s3 =	sld [smem:$0x3FDB];
	s0 =	simm.s32 @p2 $0x1  }
0x17: {  	s4 =	simm.s32 $0x1BF5;
	[smem:$0x3FB4] =	sst s0  }
0x18: {  	s0 =	sld [smem:$0x3F97];
	_ =	swait.ge [sflag:s4], $0x0  }
0x19: {  	s7 =	sld [smem:$0x3F98]  }
0x1a: {  	s8 =	sadd.s32 $0xFFFFE003, lr  }
0x1b: {  	s9 =	sadd.s32 $0xFFFFFEF7, lr;
	s5 =	simm.s32 $0xFFFFFFFF;
	p2 =	slt.u32 s8, $0xFFFFF086  }
0x1c: {  	p1 =	slt.u32 s9, $0xF7A;
	s5 =	simm.s32 @!p2 $0x0  }
0x1d: {  	s5 =	simm.s32 @p1 $0x1;
	p0 =	seq.s32 s7, s2  }
0x1e: {  	s7 =	smul.u32 @!p0 $0xF7A, s2;
	p2 =	seq.s32 @!p0 s5, $0x0  }
0x1f: {  	s9 =	smul.u32 $0xF7A, s1;
	s8 =	simm.s32 @!p0 $0x1BF5;
	p2 =	por !p2, p0  }
0x20: {  	[sflag:s8] =	ssyncset.s32 @!p0 $0xFFFFF086;
	s6 =	sadd.s32 @!p0 s3, s7;
	s7 =	simm.s32 @!p0 $0x108  }
0x21: {  	s3 =	sadd.s32 s3, s9;
	s6 =	sadd.s32 @!p0 $0x88, s6;
	s7 =	simm.s32 @p2 $0x1082  }
0x22: {  	[simem:s7], [sflag:s8] =	dma.local @!p0 [hbm:s6], $0xF7A  }
0x23: {  	s9 =	sor.u32 $0xD0000000, s2;
	s6 =	simm.s32 $0x108;
	_ =	swait.ge @!p0 [sflag:s8], $0x0  }
0x24: {  	s3 =	sadd.s32 $0x88, s3;
	s6 =	simm.s32 @!p1 $0x1082;
	[sflag:s4] =	ssyncset.s32 $0xFFFFF086  }
0x25: {  	[simem:s6], [sflag:s4] =	dma.local [hbm:s3], $0xF7A  }
0x26: {  	[smem:$0x3F98] =	sst s1;
	(tag) =	ssettag s2;
	_ =	strace s9  }
0x27: {  	s1 =	sld [smem:$0x3FA8]  }
0x28: {  	s2 =	sld [smem:$0x3FA9]  }
0x29: {  	s4 =	sld [smem:$0x3FAB]  }
0x2a: {  	p0 =	seq.s32 s5, $0x0;
	s5 =	sld [smem:$0x3FAC]  }
0x2b: {  	s6 =	sld [smem:$0x3FAD]  }
0x2c: {  	s7 =	sld [smem:$0x3FAE]  }
0x2d: {  	s3 =	simm.s32 $0x108;
	s8 =	sld [smem:$0x3FAF]  }
0x2e: {  	s3 =	simm.s32 @!p0 $0x1082;
	s9 =	sld [smem:$0x3FB0]  }
0x2f: {  	lr =	sadd.s32 s0, s3;
	s0 =	sld [smem:$0x3FA7]  }
0x30: {  	s3 =	sld [smem:$0x3FAA]  }
0x31: {  	[smem:$0x3FB3] =	sst s10  }
0x32: {  	s10 =	sld [smem:$0x3FB1];
	_ =	sdelay $0x3  }
0x33: {  	p0 =	seq.s32 s10, $0x1;
	s10 =	sld [smem:$0x3FB3];
	_ =	sdelay $0x3  }
0x34: {  	[smem:$0x3FB3] =	sst s10  }
0x35: {  	s10 =	sld [smem:$0x3FB2];
	_ =	sdelay $0x3  }
0x36: {  	p1 =	seq.s32 s10, $0x1;
	s10 =	sld [smem:$0x3FB3];
	_ =	sdelay $0x3  }
0x37: {  	[smem:$0x3FB3] =	sst s10  }
0x38: {  	s10 =	sld [smem:$0x3FB4]  }
0x39: {  	_ = 	snop;
	(pc) =	sbr.ind lr, $3  }
0x3a: {  	_ = 	snop  }
0x3b: {  	_ = 	snop  }
0x3c: {  	p2 =	seq.s32 s10, $0x1;
	s10 =	sld [smem:$0x3FB3]  }
0x3d: {  	_ =	shalt  }
0x3e: {  	_ =	shalt  }
0x3f: {  	_ =	shalt  }
0x40: {  	_ =	shalt  }
0x41: {  	_ =	shalt  }
0x42: {  	_ =	shalt  }
0x43: {  	_ =	shalt  }
0x44: {  	_ =	shalt  }
0x45: {  	_ =	shalt  }
0x46: {  	_ =	shalt  }
0x47: {  	_ =	shalt  }
0x48: {  	_ =	shalt  }
0x49: {  	_ =	shalt  }
0x4a: {  	_ =	shalt  }
0x4b: {  	_ =	shalt  }
0x4c: {  	_ =	shalt  }
0x4d: {  	_ =	shalt  }
0x4e: {  	_ =	shalt  }
0x4f: {  	_ =	shalt  }
0x50: {  	_ =	shalt  }
0x51: {  	_ =	shalt  }
0x52: {  	_ =	shalt  }
0x53: {  	_ =	shalt  }
0x54: {  	_ =	shalt  }
0x55: {  	_ =	shalt  }
0x56: {  	_ =	shalt  }
0x57: {  	_ =	shalt  }
0x58: {  	_ =	shalt  }
0x59: {  	_ =	shalt  }
0x5a: {  	_ =	shalt  }
0x5b: {  	_ =	shalt  }
0x5c: {  	_ =	shalt  }
0x5d: {  	_ =	shalt  }
0x5e: {  	_ =	shalt  }
0x5f: {  	_ =	shalt  }
0x60: {  	_ =	shalt  }
0x61: {  	_ =	shalt  }
0x62: {  	_ =	shalt  }
0x63: {  	_ =	shalt  }
0x64: {  	_ =	shalt  }
0x65: {  	_ =	shalt  }
0x66: {  	_ =	shalt  }
0x67: {  	_ =	shalt  }
0x68: {  	_ =	shalt  }
0x69: {  	_ =	shalt  }
0x6a: {  	_ =	shalt  }
0x6b: {  	_ =	shalt  }
0x6c: {  	_ =	shalt  }
0x6d: {  	_ =	shalt  }
0x6e: {  	_ =	shalt  }
0x6f: {  	_ =	shalt  }
0x70: {  	_ =	shalt  }
0x71: {  	_ =	shalt  }
0x72: {  	_ =	shalt  }
0x73: {  	_ =	shalt  }
0x74: {  	_ =	shalt  }
0x75: {  	_ =	shalt  }
0x76: {  	_ =	shalt  }
0x77: {  	_ =	shalt  }
0x78: {  	_ =	shalt  }
0x79: {  	_ =	shalt  }
0x7a: {  	_ =	shalt  }
0x7b: {  	_ =	shalt  }
0x7c: {  	_ =	shalt  }
0x7d: {  	_ =	shalt  }
0x7e: {  	_ =	shalt  }
0x7f: {  	_ =	shalt  }
0x80: {  	_ =	shalt  }
0x81: {  	_ =	shalt  }
0x82: {  	_ =	shalt  }
0x83: {  	_ =	shalt  }
0x84: {  	_ =	shalt  }
0x85: {  	_ =	shalt  }
0x86: {  	_ =	shalt  }
0x87: {  	_ =	shalt  }
.Lfunc_end0:
.L_simem_size_0:
called_computation_lowered:
.L_overlay_start_0:
0x88: {  	s2 =	sld [smem:$0x3FD9]  }
0x89: {  	s3 =	sld [smem:$0x3FFE];
	_ =	sdelay $0x1  }
0x8a: {  	s1 =	srdreg.scid  }
0x8b: {  	s0 =	sand.u32 $0x1, s1  }
0x8c: {  	s17 =	sshll.u32 s0, $0xA;
	s2 =	sadd.s32 s3, s2  }
0x8d: {  	s2 =	sadd.s32 s2, s17  }
0x8e: {  	[smem:$0x3FBF] =	sst s2  }
0x8f: {  	_ = 	snop  }
0x90: {  	s2 =	sld [smem:$0x3FD0];
	(tm) =	ssettm $0x1  }
0x91: {  	s18 =	sld [smem:$0x3FFB];
	_ =	sdelay $0x3  }
0x92: {  	_ =	strace s18  }
0x93: {  	s3 =	sld [smem:$0x3FFC];
	_ =	sdelay $0x3  }
0x94: {  	_ =	strace s3  }
0x95: {  	s3 =	sld [smem:$0x3FFD];
	_ =	sdelay $0x3  }
0x96: {  	_ =	strace s3  }
0x97: {  	_ =	strace $0x8FFFFFFF  }
0x98: {  	s19 =	sld [smem:$0x3FDB];
	_ =	sdelay $0x1  }
0x99: {  	s4 =	simm.s32 $_scs_section_size  }
0x9a: {  	s5 =	simm.s32 $_size__tile_overlayer_lowered;
	s6 =	simm.s32 $_tile_overlayer_lowered  }
0x9b: {  	s22 =	simm.s32 $0x1BFF;
	s21 =	sshll.u32 s6, $0x1;
	s3 =	sadd.s32 s4, s19  }
0x9c: {  	s7 =	simm.s32 $0x0;
	s20 =	sshll.u32 s5, $0x1;
	s5 =	sadd.s32 s21, s3  }
0x9d: {  	[timem:s7], [sflag:s22] =	dma.local [hbm:s5], s20  }
0x9e: {  	_ =	swait.ge [sflag:s22], s20  }
0x9f: {  	s4 =	ssub.s32 $0x0, s20;
	[sflag:s22] =	ssyncset.done $0x0  }
0xa0: {  	[sflag:s22] =	ssyncadd.s32 s4;
	_ =	sdelay $0x1  }
0xa1: {  	s23 =	simm.s32 $0x1B8B  }
0xa2: {  	_ =	swait.ge [sflag:s23], $0x1  }
0xa3: {  	[sflag:s23] =	ssyncset.done $0x0  }
0xa4: {  	s25 =	simm.s32 $0x1B8E;
	s24 =	sld [smem:$0x3FFE];
	[sflag:s23] =	ssyncadd.s32 $0xFFFFFFFF  }
0xa5: {  	s26 =	simm.s32 $execute0_lowered;
	[smem:$0x3FD2] =	sst s25  }
0xa6: {  	s5 =	sshll.u32 s26, $0x1;
	_ =	strace $0x80000046;
	[dreg:$0x1] =	wrdreg $0xFFFFFFFF  }
0xa7: {  	s28 =	simm.s32 $_size_execute0_lowered;
	s3 =	sadd.s32 s3, s5;
	[dreg:$0x0] =	wrdreg $0x0  }
0xa8: {  	s5 =	sshll.u32 s28, $0x1;
	[dreg:$0x2] =	wrdreg s3  }
0xa9: {  	[dreg:$0x3] =	wrdreg s5  }
0xaa: {  	[dreg:$0x4] =	wrdreg $0xC0  }
0xab: {  	_ =	task [dreg:s7], $0x5FFFF  }
0xac: {  	[dreg:$0x1] =	wrdreg $0xFFFFFFFF  }
0xad: {  	[dreg:$0x0] =	wrdreg $0x60  }
0xae: {  	[dreg:$0x2] =	wrdreg s2  }
0xaf: {  	[dreg:$0x3] =	wrdreg s24  }
0xb0: {  	[dreg:$0x4] =	wrdreg $0x9  }
0xb1: {  	_ =	task.clear_ibuf [dreg:s7], $0x5FFFF;
	_ =	strace $0x90000046  }
0xb2: {  	s29 =	simm.s32 $0x9;
	_ =	strace $0x80000048  }
0xb3: {  	_ =	swait.ge [sflag:s29], $0x1  }
0xb4: {  	[sflag:s29] =	ssyncadd.s32 $0xFFFFFFFF  }
0xb5: {  	_ =	strace $0x90000048  }
0xb6: {  	_ =	sfence  }
0xb7: {  	s30 =	sld [smem:$0x0];
	_ =	sdelay $0x2  }
0xb8: {  	s31 =	sshll.u32 s1, $0xD;
	s1 =	sshrl.u32 s1, $0x2  }
0xb9: {  	s3 =	sand.u32 $0x4000, s31;
	s1 =	sadd.s32 s1, s30  }
0xba: {  	s0 =	sor.u32 s3, s0;
	s1 =	sshll.u32 s1, $0x11  }
0xbb: {  	s0 =	sor.u32 s1, s0  }
0xbc: {  	s0 =	sadd.s32 $0x8F2B, s0  }
0xbd: {  	[sflag:s0] =	ssyncadd.remote.s32 $0x1  }
0xbe: {  	_ =	sfence.sel $0xFFFF  }
0xbf: {  	[dreg:$0x0] =	wrdreg $0xFFFFFFFF;
	(pc) =	sbr.abs _section_cstart, $3  }
0xc0: {  	[dreg:$0x1] =	wrdreg $0xFFFFFFFF  }
0xc1: {  	_ =	task.clear_ibuf [dreg:s7], $0x2FFFF;
	_ =	strace $0x9FFFFFFF  }
0xc2: {  	(tm) =	ssettm $0x7FFFFFFF  }
0xc3: {  	_ =	shalt  }
tec
execute0_lowered:
.L_overlay_start_1:
0x0: {  	(tag) =	ssettag $0x1  }
0x1: {  	s18 =	rddreg [dreg:$0x0]  }
0x2: {  	s0 =	rddreg [dreg:$0x1];
	s2 =	srdreg.scid  }
0x3: {  	s1 =	stileid.u32;
	s22 =	simm.s32 $0x0;
	s5 =	simm.s32 $0x80  }
0x4: {  	s20 =	simm.s32 $0x1400;
	s24 =	simm.s32 $0x100;
	s19 =	simm.s32 $0x2400  }
0x5: {  	s25 =	simm.s32 $0x180;
	s17 =	simm.s32 $0x3400;
	s26 =	simm.s32 $0x200  }
0x6: {  	s16 =	simm.s32 $0x4400;
	s28 =	simm.s32 $0x280;
	s13 =	simm.s32 $0x5400  }
0x7: {  	s29 =	simm.s32 $0x300;
	p0 =	por $0x0, $0x0;
	s14 =	simm.s32 $0x6400  }
0x8: {  	s30 =	simm.s32 $0x380;
	s2 =	sand.u32 $0x1, s2;
	s3 =	sshll.u32 s1, $0x1  }
0x9: {  	s11 =	simm.s32 $0x7400;
	s3 =	sor.u32 s2, s3;
	s2 =	ssub.s32 $0x2, s2  }
0xa: {  	s15 =	simm.s32 $0x20;
	[smem:$0x7FF] =	sst s22;
	s21 =	sshrl.u32 s2, $0x1  }
0xb: {  	_ =	strace $0x80000047;
	s4 =	sshll.u32 s3, $0x7;
	s2 =	ssub.s32 s2, s21  }
0xc: {  	s3 =	sshll.u32 s3, $0xC;
	s4 =	sadd.s32 s4, s0;
	s23 =	smax.u32 s2, $0x1  }
0xd: {  	s0 =	sadd.s32 s3, s0;
	s21 =	simm.s32 $0x400;
	p1 =	sne.s32 s23, $0x1  }
.Ltmp0:
0xe: {  	s4 =	sadd.s32 $0x1A00, s4;
	s12 =	sadd.s32 $0x2A00, s0;
	(pc) =	sbr.rel @!p1 .LBB2_3-.Ltmp0, $4  }
0xf: {  	s10 =	sadd.s32 $0x2A04, s0;
	s9 =	sadd.s32 $0x2A08, s0;
	s8 =	sadd.s32 $0x2A0C, s0  }
0x10: {  	s7 =	sadd.s32 $0x3200, s0;
	s6 =	sadd.s32 $0x3204, s0;
	s3 =	sadd.s32 $0x320C, s0  }
0x11: {  	s2 =	simm.s32 $0x2;
	[dreg:$0x3] =	wrdreg s4;
	s4 =	sadd.s32 $0x3208, s0  }
0x12: {  	s31 =	sadd.s32 $0xFFFFFFFF, s23;
	s23 =	simm.s32 $0x1;
	s0 =	rddreg [dreg:$0x3]  }
0x13: {  	[tilespmem:s22], [sflag:$0x2] =	stream.linear.gather [hbm4b:s0+s22], $0x400, $0x38;
	[tilespmem:$0x8400] =	vst v63  }
0x14: {  	_ =	swait.ge [sflag:s2], $0x400  }
0x15: {  	[sflag:s2] =	ssyncset.done $0x0  }
0x16: {  	[sflag:s2] =	ssyncadd.s32 $0xFFFFFC00  }
0x17: {  	[tilespmem:s21], [sflag:$0x1] =	stream.indirect.gather [hbm4b:s18+s5], $0x20, s22, s5, $0xb8;
	[tilespmem:$0x8400] =	vst v63  }
0x18: {  	_ = 	snop  }
0x19: {  	[tilespmem:s20], [sflag:$0x1] =	stream.indirect.gather [hbm4b:s18+s5], $0x20, s5, s5, $0xb8;
	[tilespmem:$0x8400] =	vst v63  }
0x1a: {  	_ = 	snop  }
0x1b: {  	[tilespmem:s19], [sflag:$0x1] =	stream.indirect.gather [hbm4b:s18+s5], $0x20, s24, s5, $0xb8;
	[tilespmem:$0x8400] =	vst v63  }
0x1c: {  	_ = 	snop  }
0x1d: {  	[tilespmem:s17], [sflag:$0x1] =	stream.indirect.gather [hbm4b:s18+s5], $0x20, s25, s5, $0xb8;
	[tilespmem:$0x8400] =	vst v63  }
0x1e: {  	_ = 	snop  }
0x1f: {  	[tilespmem:s16], [sflag:$0x1] =	stream.indirect.gather [hbm4b:s18+s5], $0x20, s26, s5, $0xb8;
	[tilespmem:$0x8400] =	vst v63  }
0x20: {  	_ = 	snop  }
0x21: {  	[tilespmem:s13], [sflag:$0x1] =	stream.indirect.gather [hbm4b:s18+s5], $0x20, s28, s5, $0xb8;
	[tilespmem:$0x8400] =	vst v63  }
0x22: {  	_ = 	snop  }
0x23: {  	[tilespmem:s14], [sflag:$0x1] =	stream.indirect.gather [hbm4b:s18+s5], $0x20, s29, s5, $0xb8;
	[tilespmem:$0x8400] =	vst v63  }
0x24: {  	_ = 	snop  }
0x25: {  	[tilespmem:s11], [sflag:$0x1] =	stream.indirect.gather [hbm4b:s18+s5], $0x20, s30, s5, $0xb8;
	[tilespmem:$0x8400] =	vst v63  }
0x26: {  	_ =	swait.ge [sflag:s23], $0x1000  }
0x27: {  	[sflag:s23] =	ssyncset.done $0x0  }
0x28: {  	[sflag:s23] =	ssyncadd.s32 $0xFFFFF000  }
0x29: {  	_ =	swait.ge [sflag:s23], $0x1000  }
0x2a: {  	[sflag:s23] =	ssyncset.done $0x0  }
0x2b: {  	[sflag:s23] =	ssyncadd.s32 $0xFFFFF000  }
0x2c: {  	_ =	swait.ge [sflag:s23], $0x1000  }
0x2d: {  	[sflag:s23] =	ssyncset.done $0x0  }
0x2e: {  	[sflag:s23] =	ssyncadd.s32 $0xFFFFF000  }
0x2f: {  	_ =	swait.ge [sflag:s23], $0x1000  }
0x30: {  	[sflag:s23] =	ssyncset.done $0x0  }
0x31: {  	[sflag:s23] =	ssyncadd.s32 $0xFFFFF000  }
0x32: {  	_ =	swait.ge [sflag:s23], $0x1000  }
0x33: {  	[sflag:s23] =	ssyncset.done $0x0  }
0x34: {  	[sflag:s23] =	ssyncadd.s32 $0xFFFFF000  }
0x35: {  	_ =	swait.ge [sflag:s23], $0x1000  }
0x36: {  	[sflag:s23] =	ssyncset.done $0x0  }
0x37: {  	[sflag:s23] =	ssyncadd.s32 $0xFFFFF000  }
0x38: {  	_ =	swait.ge [sflag:s23], $0x1000  }
0x39: {  	[sflag:s23] =	ssyncset.done $0x0  }
0x3a: {  	[sflag:s23] =	ssyncadd.s32 $0xFFFFF000  }
0x3b: {  	_ =	swait.ge [sflag:s23], $0x1000  }
0x3c: {  	[sflag:s23] =	ssyncset.done $0x0  }
0x3d: {  	[sflag:s23] =	ssyncadd.s32 $0xFFFFF000  }
0x3e: {  	[hbm4b:s12+s15] =	stream.strided.scatter [tilespmem:s21], [sflag:$0x2], $0x1000, s5, s15, $0x38;
	[tilespmem:$0x8400] =	vst v63  }
0x3f: {  	_ =	swait.ge [sflag:s2], $0x1000  }
0x40: {  	[sflag:s2] =	ssyncset.done $0x0  }
0x41: {  	[sflag:s2] =	ssyncadd.s32 $0xFFFFF000  }
0x42: {  	[hbm4b:s10+s15] =	stream.strided.scatter [tilespmem:s20], [sflag:$0x2], $0x1000, s5, s15, $0x38;
	[tilespmem:$0x8400] =	vst v63  }
0x43: {  	_ =	swait.ge [sflag:s2], $0x1000  }
0x44: {  	[sflag:s2] =	ssyncset.done $0x0  }
0x45: {  	[sflag:s2] =	ssyncadd.s32 $0xFFFFF000  }
0x46: {  	[hbm4b:s9+s15] =	stream.strided.scatter [tilespmem:s19], [sflag:$0x2], $0x1000, s5, s15, $0x38;
	[tilespmem:$0x8400] =	vst v63  }
0x47: {  	_ =	swait.ge [sflag:s2], $0x1000  }
0x48: {  	[sflag:s2] =	ssyncset.done $0x0  }
0x49: {  	[sflag:s2] =	ssyncadd.s32 $0xFFFFF000  }
0x4a: {  	[hbm4b:s8+s15] =	stream.strided.scatter [tilespmem:s17], [sflag:$0x2], $0x1000, s5, s15, $0x38;
	[tilespmem:$0x8400] =	vst v63  }
0x4b: {  	_ =	swait.ge [sflag:s2], $0x1000  }
0x4c: {  	[sflag:s2] =	ssyncset.done $0x0  }
0x4d: {  	[sflag:s2] =	ssyncadd.s32 $0xFFFFF000  }
0x4e: {  	[hbm4b:s7+s15] =	stream.strided.scatter [tilespmem:s16], [sflag:$0x2], $0x1000, s5, s15, $0x38;
	[tilespmem:$0x8400] =	vst v63  }
0x4f: {  	_ =	swait.ge [sflag:s2], $0x1000  }
0x50: {  	[sflag:s2] =	ssyncset.done $0x0  }
0x51: {  	[sflag:s2] =	ssyncadd.s32 $0xFFFFF000  }
0x52: {  	[hbm4b:s6+s15] =	stream.strided.scatter [tilespmem:s13], [sflag:$0x2], $0x1000, s5, s15, $0x38;
	[tilespmem:$0x8400] =	vst v63  }
0x53: {  	_ =	swait.ge [sflag:s2], $0x1000  }
0x54: {  	[sflag:s2] =	ssyncset.done $0x0  }
0x55: {  	[sflag:s2] =	ssyncadd.s32 $0xFFFFF000  }
0x56: {  	[hbm4b:s4+s15] =	stream.strided.scatter [tilespmem:s14], [sflag:$0x2], $0x1000, s5, s15, $0x38;
	[tilespmem:$0x8400] =	vst v63  }
0x57: {  	p1 =	sne.s32 s31, $0x1;
	_ =	swait.ge [sflag:s2], $0x1000  }
.Ltmp1:
0x58: {  	[sflag:s2] =	ssyncset.done $0x0;
	(pc) =	sbr.rel @!p1 .LBB2_3-.Ltmp1, $4  }
0x59: {  	[sflag:s2] =	ssyncadd.s32 $0xFFFFF000  }
0x5a: {  	[hbm4b:s3+s15] =	stream.strided.scatter [tilespmem:s11], [sflag:$0x2], $0x1000, s5, s15, $0x38;
	[tilespmem:$0x8400] =	vst v63  }
0x5b: {  	s31 =	sadd.s32 $0xFFFFFFFF, s31;
	_ =	swait.ge [sflag:s2], $0x1000  }
0x5c: {  	p0 =	por $0x1, $0x1;
	s0 =	rddreg [dreg:$0x3];
	[sflag:s2] =	ssyncset.done $0x0  }
.LBB2_2:
0x5d: {  	[sflag:s2] =	ssyncadd.s32 $0xFFFFF000  }
0x5e: {  	[tilespmem:s22], [sflag:$0x2] =	stream.linear.gather [hbm4b:s0+s22], $0x400, $0x38;
	[tilespmem:$0x8400] =	vst v63  }
0x5f: {  	_ =	swait.ge [sflag:s2], $0x400  }
0x60: {  	[sflag:s2] =	ssyncset.done $0x0  }
0x61: {  	[sflag:s2] =	ssyncadd.s32 $0xFFFFFC00  }
0x62: {  	[tilespmem:s21], [sflag:$0x1] =	stream.indirect.gather [hbm4b:s18+s5], $0x20, s22, s5, $0xb8;
	[tilespmem:$0x8400] =	vst v63  }
0x63: {  	_ = 	snop  }
0x64: {  	[tilespmem:s20], [sflag:$0x1] =	stream.indirect.gather [hbm4b:s18+s5], $0x20, s5, s5, $0xb8;
	[tilespmem:$0x8400] =	vst v63  }
0x65: {  	_ = 	snop  }
0x66: {  	[tilespmem:s19], [sflag:$0x1] =	stream.indirect.gather [hbm4b:s18+s5], $0x20, s24, s5, $0xb8;
	[tilespmem:$0x8400] =	vst v63  }
0x67: {  	_ = 	snop  }
0x68: {  	[tilespmem:s17], [sflag:$0x1] =	stream.indirect.gather [hbm4b:s18+s5], $0x20, s25, s5, $0xb8;
	[tilespmem:$0x8400] =	vst v63  }
0x69: {  	_ = 	snop  }
0x6a: {  	[tilespmem:s16], [sflag:$0x1] =	stream.indirect.gather [hbm4b:s18+s5], $0x20, s26, s5, $0xb8;
	[tilespmem:$0x8400] =	vst v63  }
0x6b: {  	_ = 	snop  }
0x6c: {  	[tilespmem:s13], [sflag:$0x1] =	stream.indirect.gather [hbm4b:s18+s5], $0x20, s28, s5, $0xb8;
	[tilespmem:$0x8400] =	vst v63  }
0x6d: {  	_ = 	snop  }
0x6e: {  	[tilespmem:s14], [sflag:$0x1] =	stream.indirect.gather [hbm4b:s18+s5], $0x20, s29, s5, $0xb8;
	[tilespmem:$0x8400] =	vst v63  }
0x6f: {  	_ = 	snop  }
0x70: {  	[tilespmem:s11], [sflag:$0x1] =	stream.indirect.gather [hbm4b:s18+s5], $0x20, s30, s5, $0xb8;
	[tilespmem:$0x8400] =	vst v63  }
0x71: {  	_ =	swait.ge [sflag:s23], $0x1000  }
0x72: {  	[sflag:s23] =	ssyncset.done $0x0  }
0x73: {  	[sflag:s23] =	ssyncadd.s32 $0xFFFFF000  }
0x74: {  	_ =	swait.ge [sflag:s23], $0x1000  }
0x75: {  	[sflag:s23] =	ssyncset.done $0x0  }
0x76: {  	[sflag:s23] =	ssyncadd.s32 $0xFFFFF000  }
0x77: {  	_ =	swait.ge [sflag:s23], $0x1000  }
0x78: {  	[sflag:s23] =	ssyncset.done $0x0  }
0x79: {  	[sflag:s23] =	ssyncadd.s32 $0xFFFFF000  }
0x7a: {  	_ =	swait.ge [sflag:s23], $0x1000  }
0x7b: {  	[sflag:s23] =	ssyncset.done $0x0  }
0x7c: {  	[sflag:s23] =	ssyncadd.s32 $0xFFFFF000  }
0x7d: {  	_ =	swait.ge [sflag:s23], $0x1000  }
0x7e: {  	[sflag:s23] =	ssyncset.done $0x0  }
0x7f: {  	[sflag:s23] =	ssyncadd.s32 $0xFFFFF000  }
0x80: {  	_ =	swait.ge [sflag:s23], $0x1000  }
0x81: {  	[sflag:s23] =	ssyncset.done $0x0  }
0x82: {  	[sflag:s23] =	ssyncadd.s32 $0xFFFFF000  }
0x83: {  	_ =	swait.ge [sflag:s23], $0x1000  }
0x84: {  	[sflag:s23] =	ssyncset.done $0x0  }
0x85: {  	[sflag:s23] =	ssyncadd.s32 $0xFFFFF000  }
0x86: {  	_ =	swait.ge [sflag:s23], $0x1000  }
0x87: {  	[sflag:s23] =	ssyncset.done $0x0  }
0x88: {  	[sflag:s23] =	ssyncadd.s32 $0xFFFFF000  }
0x89: {  	[hbm4b:s12+s15] =	stream.strided.scatter [tilespmem:s21], [sflag:$0x2], $0x1000, s5, s15, $0x38;
	[tilespmem:$0x8400] =	vst v63  }
0x8a: {  	_ =	swait.ge [sflag:s2], $0x1000  }
0x8b: {  	[sflag:s2] =	ssyncset.done $0x0  }
0x8c: {  	[sflag:s2] =	ssyncadd.s32 $0xFFFFF000  }
0x8d: {  	[hbm4b:s10+s15] =	stream.strided.scatter [tilespmem:s20], [sflag:$0x2], $0x1000, s5, s15, $0x38;
	[tilespmem:$0x8400] =	vst v63  }
0x8e: {  	_ =	swait.ge [sflag:s2], $0x1000  }
0x8f: {  	[sflag:s2] =	ssyncset.done $0x0  }
0x90: {  	[sflag:s2] =	ssyncadd.s32 $0xFFFFF000  }
0x91: {  	[hbm4b:s9+s15] =	stream.strided.scatter [tilespmem:s19], [sflag:$0x2], $0x1000, s5, s15, $0x38;
	[tilespmem:$0x8400] =	vst v63  }
0x92: {  	_ =	swait.ge [sflag:s2], $0x1000  }
0x93: {  	[sflag:s2] =	ssyncset.done $0x0  }
0x94: {  	[sflag:s2] =	ssyncadd.s32 $0xFFFFF000  }
0x95: {  	[hbm4b:s8+s15] =	stream.strided.scatter [tilespmem:s17], [sflag:$0x2], $0x1000, s5, s15, $0x38;
	[tilespmem:$0x8400] =	vst v63  }
0x96: {  	_ =	swait.ge [sflag:s2], $0x1000  }
0x97: {  	[sflag:s2] =	ssyncset.done $0x0  }
0x98: {  	[sflag:s2] =	ssyncadd.s32 $0xFFFFF000  }
0x99: {  	[hbm4b:s7+s15] =	stream.strided.scatter [tilespmem:s16], [sflag:$0x2], $0x1000, s5, s15, $0x38;
	[tilespmem:$0x8400] =	vst v63  }
0x9a: {  	_ =	swait.ge [sflag:s2], $0x1000  }
0x9b: {  	[sflag:s2] =	ssyncset.done $0x0  }
0x9c: {  	[sflag:s2] =	ssyncadd.s32 $0xFFFFF000  }
0x9d: {  	[hbm4b:s6+s15] =	stream.strided.scatter [tilespmem:s13], [sflag:$0x2], $0x1000, s5, s15, $0x38;
	[tilespmem:$0x8400] =	vst v63  }
0x9e: {  	_ =	swait.ge [sflag:s2], $0x1000  }
0x9f: {  	[sflag:s2] =	ssyncset.done $0x0  }
0xa0: {  	[sflag:s2] =	ssyncadd.s32 $0xFFFFF000  }
0xa1: {  	[hbm4b:s4+s15] =	stream.strided.scatter [tilespmem:s14], [sflag:$0x2], $0x1000, s5, s15, $0x38;
	[tilespmem:$0x8400] =	vst v63  }
0xa2: {  	p1 =	sne.s32 s31, $0x1;
	_ =	swait.ge [sflag:s2], $0x1000  }
.Ltmp2:
0xa3: {  	[sflag:s2] =	ssyncset.done $0x0;
	(pc) =	sbr.rel @p1 .LBB2_2-.Ltmp2, $4  }
0xa4: {  	[sflag:s2] =	ssyncadd.s32 $0xFFFFF000  }
0xa5: {  	[hbm4b:s3+s15] =	stream.strided.scatter [tilespmem:s11], [sflag:$0x2], $0x1000, s5, s15, $0x38;
	[tilespmem:$0x8400] =	vst v63  }
0xa6: {  	_ =	swait.ge [sflag:s2], $0x1000  }
0xa7: {  	s31 =	sadd.s32 $0xFFFFFFFF, s31;
	s0 =	rddreg [dreg:$0x3];
	[sflag:s2] =	ssyncset.done $0x0  }
.LBB2_3:
0xa8: {  	[sflag:s2] =	ssyncadd.s32 @p0 $0xFFFFF000  }
0xa9: {  	[tilespmem:s22], [sflag:$0x2] =	stream.linear.gather [hbm4b:s0+s22], $0x400, $0x38;
	[tilespmem:$0x8400] =	vst v63  }
0xaa: {  	_ =	swait.ge [sflag:s2], $0x400  }
0xab: {  	[sflag:s2] =	ssyncset.done $0x0  }
0xac: {  	[sflag:s2] =	ssyncadd.s32 $0xFFFFFC00  }
0xad: {  	[tilespmem:s21], [sflag:$0x1] =	stream.indirect.gather [hbm4b:s18+s5], $0x20, s22, s5, $0xb8;
	[tilespmem:$0x8400] =	vst v63  }
0xae: {  	_ = 	snop  }
0xaf: {  	[tilespmem:s20], [sflag:$0x1] =	stream.indirect.gather [hbm4b:s18+s5], $0x20, s5, s5, $0xb8;
	[tilespmem:$0x8400] =	vst v63  }
0xb0: {  	_ = 	snop  }
0xb1: {  	[tilespmem:s19], [sflag:$0x1] =	stream.indirect.gather [hbm4b:s18+s5], $0x20, s24, s5, $0xb8;
	[tilespmem:$0x8400] =	vst v63  }
0xb2: {  	_ = 	snop  }
0xb3: {  	[tilespmem:s17], [sflag:$0x1] =	stream.indirect.gather [hbm4b:s18+s5], $0x20, s25, s5, $0xb8;
	[tilespmem:$0x8400] =	vst v63  }
0xb4: {  	_ = 	snop  }
0xb5: {  	[tilespmem:s16], [sflag:$0x1] =	stream.indirect.gather [hbm4b:s18+s5], $0x20, s26, s5, $0xb8;
	[tilespmem:$0x8400] =	vst v63  }
0xb6: {  	_ = 	snop  }
0xb7: {  	[tilespmem:s13], [sflag:$0x1] =	stream.indirect.gather [hbm4b:s18+s5], $0x20, s28, s5, $0xb8;
	[tilespmem:$0x8400] =	vst v63  }
0xb8: {  	_ = 	snop  }
0xb9: {  	[tilespmem:s14], [sflag:$0x1] =	stream.indirect.gather [hbm4b:s18+s5], $0x20, s29, s5, $0xb8;
	[tilespmem:$0x8400] =	vst v63  }
0xba: {  	_ = 	snop  }
0xbb: {  	[tilespmem:s11], [sflag:$0x1] =	stream.indirect.gather [hbm4b:s18+s5], $0x20, s30, s5, $0xb8;
	[tilespmem:$0x8400] =	vst v63  }
0xbc: {  	_ =	swait.ge [sflag:s23], $0x1000  }
0xbd: {  	[sflag:s23] =	ssyncset.done $0x0  }
0xbe: {  	[sflag:s23] =	ssyncadd.s32 $0xFFFFF000  }
0xbf: {  	_ =	swait.ge [sflag:s23], $0x1000  }
0xc0: {  	[sflag:s23] =	ssyncset.done $0x0  }
0xc1: {  	[sflag:s23] =	ssyncadd.s32 $0xFFFFF000  }
0xc2: {  	_ =	swait.ge [sflag:s23], $0x1000  }
0xc3: {  	[sflag:s23] =	ssyncset.done $0x0  }
0xc4: {  	[sflag:s23] =	ssyncadd.s32 $0xFFFFF000  }
0xc5: {  	_ =	swait.ge [sflag:s23], $0x1000  }
0xc6: {  	[sflag:s23] =	ssyncset.done $0x0  }
0xc7: {  	[sflag:s23] =	ssyncadd.s32 $0xFFFFF000  }
0xc8: {  	_ =	swait.ge [sflag:s23], $0x1000  }
0xc9: {  	[sflag:s23] =	ssyncset.done $0x0  }
0xca: {  	[sflag:s23] =	ssyncadd.s32 $0xFFFFF000  }
0xcb: {  	_ =	swait.ge [sflag:s23], $0x1000  }
0xcc: {  	[sflag:s23] =	ssyncset.done $0x0  }
0xcd: {  	[sflag:s23] =	ssyncadd.s32 $0xFFFFF000  }
0xce: {  	_ =	swait.ge [sflag:s23], $0x1000  }
0xcf: {  	[sflag:s23] =	ssyncset.done $0x0  }
0xd0: {  	[sflag:s23] =	ssyncadd.s32 $0xFFFFF000  }
0xd1: {  	_ =	swait.ge [sflag:s23], $0x1000  }
0xd2: {  	[sflag:s23] =	ssyncset.done $0x0  }
0xd3: {  	[sflag:s23] =	ssyncadd.s32 $0xFFFFF000  }
0xd4: {  	[hbm4b:s12+s15] =	stream.strided.scatter [tilespmem:s21], [sflag:$0x2], $0x1000, s5, s15, $0x38;
	[tilespmem:$0x8400] =	vst v63  }
0xd5: {  	_ =	swait.ge [sflag:s2], $0x1000  }
0xd6: {  	[sflag:s2] =	ssyncset.done $0x0  }
0xd7: {  	[sflag:s2] =	ssyncadd.s32 $0xFFFFF000  }
0xd8: {  	[hbm4b:s10+s15] =	stream.strided.scatter [tilespmem:s20], [sflag:$0x2], $0x1000, s5, s15, $0x38;
	[tilespmem:$0x8400] =	vst v63  }
0xd9: {  	_ =	swait.ge [sflag:s2], $0x1000  }
0xda: {  	[sflag:s2] =	ssyncset.done $0x0  }
0xdb: {  	[sflag:s2] =	ssyncadd.s32 $0xFFFFF000  }
0xdc: {  	[hbm4b:s9+s15] =	stream.strided.scatter [tilespmem:s19], [sflag:$0x2], $0x1000, s5, s15, $0x38;
	[tilespmem:$0x8400] =	vst v63  }
0xdd: {  	_ =	swait.ge [sflag:s2], $0x1000  }
0xde: {  	[sflag:s2] =	ssyncset.done $0x0  }
0xdf: {  	[sflag:s2] =	ssyncadd.s32 $0xFFFFF000  }
0xe0: {  	[hbm4b:s8+s15] =	stream.strided.scatter [tilespmem:s17], [sflag:$0x2], $0x1000, s5, s15, $0x38;
	[tilespmem:$0x8400] =	vst v63  }
0xe1: {  	_ =	swait.ge [sflag:s2], $0x1000  }
0xe2: {  	[sflag:s2] =	ssyncset.done $0x0  }
0xe3: {  	[sflag:s2] =	ssyncadd.s32 $0xFFFFF000  }
0xe4: {  	[hbm4b:s7+s15] =	stream.strided.scatter [tilespmem:s16], [sflag:$0x2], $0x1000, s5, s15, $0x38;
	[tilespmem:$0x8400] =	vst v63  }
0xe5: {  	_ =	swait.ge [sflag:s2], $0x1000  }
0xe6: {  	[sflag:s2] =	ssyncset.done $0x0  }
0xe7: {  	[sflag:s2] =	ssyncadd.s32 $0xFFFFF000  }
0xe8: {  	[hbm4b:s6+s15] =	stream.strided.scatter [tilespmem:s13], [sflag:$0x2], $0x1000, s5, s15, $0x38;
	[tilespmem:$0x8400] =	vst v63  }
0xe9: {  	_ =	swait.ge [sflag:s2], $0x1000  }
0xea: {  	[sflag:s2] =	ssyncset.done $0x0  }
0xeb: {  	[sflag:s2] =	ssyncadd.s32 $0xFFFFF000  }
0xec: {  	[hbm4b:s4+s15] =	stream.strided.scatter [tilespmem:s14], [sflag:$0x2], $0x1000, s5, s15, $0x38;
	[tilespmem:$0x8400] =	vst v63  }
0xed: {  	_ =	swait.ge [sflag:s2], $0x1000  }
0xee: {  	[sflag:s2] =	ssyncset.done $0x0  }
0xef: {  	[sflag:s2] =	ssyncadd.s32 $0xFFFFF000  }
0xf0: {  	[hbm4b:s3+s15] =	stream.strided.scatter [tilespmem:s11], [sflag:$0x2], $0x1000, s5, s15, $0x38;
	[tilespmem:$0x8400] =	vst v63  }
0xf1: {  	_ =	swait.ge [sflag:s2], $0x1000  }
0xf2: {  	[sflag:s2] =	ssyncset.done $0x0  }
0xf3: {  	[sflag:s2] =	ssyncadd.s32 $0xFFFFF000  }
0xf4: {  	_ =	sfence.sel $0x180000  }
0xf5: {  	[bflag:$0x0] =	sbarrier.arrive $0xFFFF  }
0xf6: {  	_ =	strace $0x90000047  }
0xf7: {  	[bflag:$0x2] =	sbarrier.arrive $0xFFFF  }
0xf8: {  	p0 =	sne.s32 s1, $0x0;
	s0 =	rddreg [dreg:$0x2]  }
0xf9: {  	s0 =	sadd.s32 @!p0 $0x100000, s0  }
0xfa: {  	[sflag:s0] =	ssyncadd.tile.s32 @!p0 $0x1;
	_ =	shalt  }
.Lfunc_end2:
_tile_overlayer_lowered:
.L_overlay_start_2:
0xfb: {  	(tag) =	ssettag $0x2  }
0xfc: {  	s0 =	rddreg [dreg:$0x0];
	s2 =	stileid.u32  }
0xfd: {  	s1 =	rddreg [dreg:$0x1];
	p0 =	sne.s32 s2, $0x0  }
0xfe: {  	s3 =	rddreg [dreg:$0x2];
	[bflag:$0x3] =	sbarrier.arrive $0xFFFF;
	s2 =	simm.s32 @!p0 $0x1C02  }
0xff: {  	[timem:s3], [sflag:s2] =	dma.local @!p0 [hbm:s0], s1  }
0x100: {  	s0 =	simm.s32 @!p0 $0x2  }
0x101: {  	_ =	swait.ge @!p0 [sflag:s0], s1  }
0x102: {  	s1 =	ssub.s32 @!p0 $0x0, s1;
	[sflag:s0] =	ssyncset.done @!p0 $0x0  }
0x103: {  	[sflag:s0] =	ssyncadd.s32 @!p0 s1  }
0x104: {  	[bflag:$0x3] =	sbarrier.arrive $0xFFFF  }
0x105: {  	_ =	shalt  }

</sc_bundles>
